<compile_context>
chip_gen: v7x
topology: tpu7x:2x2x1
jax: 0.10.2.dev20260603
libtpu: 0.0.44.dev20260713+nightly
codegen_flags: <defaults>
</compile_context>

<pallas_src>
import functools

import jax
import jax.numpy as jnp
from jax import lax
from jax.experimental import pallas as pl
from jax.experimental.pallas import tpu as pltpu
from jax.experimental.pallas import tpu_sc as plsc

EPS = 1e-12


def _sc_gather(ids_flat, contig_table, chunk):
    n = ids_flat.shape[0]
    vocab, hidden = contig_table.shape
    nch = n // chunk
    info = plsc.get_sparse_core_info()
    nw = info.num_cores * info.num_subcores
    iters = (nch + nw - 1) // nw
    mesh = plsc.VectorSubcoreMesh(core_axis_name="c", subcore_axis_name="s")

    @functools.partial(
        pl.kernel, mesh=mesh,
        out_type=jax.ShapeDtypeStruct((n, hidden), jnp.int32),
        scratch_types=[
            pltpu.VMEM((chunk,), jnp.int32),
            pltpu.VMEM((chunk, hidden), jnp.int32),
            pltpu.SemaphoreType.DMA,
        ],
    )
    def sck(ids_hbm, table_hbm, out_hbm, idx_v, rows_v, sem):
        wid = lax.axis_index("s") * info.num_cores + lax.axis_index("c")

        def do_chunk(cid):
            @pl.when(cid < nch)
            def _():
                base = cid * chunk
                pltpu.sync_copy(ids_hbm.at[pl.ds(base, chunk)], idx_v)
                pltpu.async_copy(table_hbm.at[idx_v], rows_v, sem).wait()
                pltpu.sync_copy(rows_v, out_hbm.at[pl.ds(base, chunk)])

        for c in range(iters):
            do_chunk(c * nw + wid)

    return sck(ids_flat, contig_table)


def _body(mask_ref, pe_ref, g_ref, w_ref, b_ref, me_ref, gam_ref,
          bt_ref, out_ref, *, block_rows):
    ji = pl.program_id(0)
    bi = pl.program_id(1)
    bsz, seq = mask_ref.shape

    mask_all = mask_ref[...]
    rowsel = lax.broadcasted_iota(jnp.int32, (bsz, 1), 0) == bi
    m_row = jnp.sum(jnp.where(rowsel, mask_all, 0), axis=0,
                    keepdims=True).astype(jnp.float32)
    m_win = m_row[:, 0:block_rows]
    for k in range(1, seq // block_rows):
        m_win = jnp.where(ji == k, m_row[:, k * block_rows:(k + 1) * block_rows],
                          m_win)
    ones11 = jnp.ones((1, 1), jnp.float32)
    m_col = lax.dot_general(
        m_win, ones11, (((0,), (0,)), ((), ())),
        precision=lax.Precision.HIGHEST,
        preferred_element_type=jnp.float32)

    x = lax.dot_general(
        pe_ref[0].astype(jnp.bfloat16), w_ref[...].astype(jnp.bfloat16),
        (((1,), (1,)), ((), ())),
        preferred_element_type=jnp.float32)
    x = x + b_ref[...]
    x = jnp.where(m_col > 0.5, me_ref[...], x)
    w_pack = g_ref[...]
    lo = lax.bitcast_convert_type(
        lax.shift_left(w_pack, jnp.int32(16)), jnp.float32)
    hi = lax.bitcast_convert_type(
        lax.bitwise_and(w_pack, jnp.int32(-65536)), jnp.float32)
    g1024 = jnp.concatenate([lo, hi], axis=1)
    x = x + g1024[:, 0:x.shape[1]]

    mean = jnp.mean(x, axis=1, keepdims=True)
    xc = x - mean
    var = jnp.mean(xc * xc, axis=1, keepdims=True)
    out_ref[0] = xc * lax.rsqrt(var + EPS) * gam_ref[...] + bt_ref[...]


@jax.jit
def kernel(protein_embeddings, contig_ids, mlm_mask, W, b, mask_embed,
           contig_table, ln_gamma, ln_beta):
    bsz, seq, hidden = protein_embeddings.shape
    n = bsz * seq

    block_rows = seq
    for cand in range(min(600, seq), 7, -1):
        if seq % cand == 0 and cand % 8 == 0:
            block_rows = cand
            break
    nblk = seq // block_rows

    chunk = 240
    while n % chunk:
        chunk -= 8
    ids_flat = contig_ids.astype(jnp.int32).reshape(n)
    hpad = ((hidden + 127) // 128) * 128
    half = hpad // 2
    bits = lax.bitcast_convert_type(
        contig_table.astype(jnp.bfloat16), jnp.uint16).astype(jnp.uint32)
    bits_pad = jnp.zeros((contig_table.shape[0], hpad), jnp.uint32)
    bits_pad = bits_pad.at[:, :hidden].set(bits)
    tbl_pack = (bits_pad[:, :half]
                | (bits_pad[:, half:] << 16)).astype(jnp.int32)
    g = _sc_gather(ids_flat, tbl_pack, chunk)

    mask2d = mlm_mask.astype(jnp.int32)

    row = lambda v: v.reshape(1, hidden)

    out = pl.pallas_call(
        functools.partial(_body, block_rows=block_rows),
        grid=(nblk, bsz),
        in_specs=[
            pl.BlockSpec((bsz, seq), lambda j, i: (0, 0)),
            pl.BlockSpec((1, block_rows, hidden), lambda j, i: (i, j, 0)),
            pl.BlockSpec((block_rows, g.shape[1]),
                         lambda j, i: (i * (seq // block_rows) + j, 0)),
            pl.BlockSpec((hidden, hidden), lambda j, i: (0, 0)),
            pl.BlockSpec((1, hidden), lambda j, i: (0, 0)),
            pl.BlockSpec((1, hidden), lambda j, i: (0, 0)),
            pl.BlockSpec((1, hidden), lambda j, i: (0, 0)),
            pl.BlockSpec((1, hidden), lambda j, i: (0, 0)),
        ],
        out_specs=pl.BlockSpec((1, block_rows, hidden), lambda j, i: (i, j, 0)),
        out_shape=jax.ShapeDtypeStruct((bsz, seq, hidden), jnp.float32),
        compiler_params=pltpu.CompilerParams(
            dimension_semantics=("parallel", "parallel"),
        ),
    )(mask2d, protein_embeddings, g, W, row(b), row(mask_embed),
      row(ln_gamma), row(ln_beta))

    return out

# --- scband reference (transcript-rebuilt; emitter-appended) ---
"""Pipeline reference for scband-bacformer-large-embeddings-84894323573060 (READ-ONLY COPY).

The authoritative reference and input builder live on the scoring server;
editing this copy changes nothing except your own understanding.
"""

import jax, jax.numpy as jnp
import numpy as np

HIDDEN = 960
VOCAB = 1001  # max_token_type_embeddings + 1, padding_idx = 1000
EPS = 1e-12


def setup_inputs(seed: int = 0) -> dict:
    key = jax.random.key(seed)
    k1, k2, k3, k4, k5, k6 = jax.random.split(key, 6)
    protein_embeddings = jax.random.normal(k1, (4, 6000, HIDDEN), dtype=jnp.float32)
    contig_ids = jax.random.randint(k2, (4, 6000), 0, 1000, dtype=jnp.int64 if jax.config.read('jax_enable_x64') else jnp.int32)
    mlm_mask = jax.random.randint(k3, (4, 6000), 0, 2) > 0
    # parameters
    W = jax.random.normal(k4, (HIDDEN, HIDDEN), dtype=jnp.float32) * 0.02
    b = jnp.zeros((HIDDEN,), dtype=jnp.float32)
    mask_embed = jax.random.normal(k5, (HIDDEN,), dtype=jnp.float32) * 0.02
    contig_table = jax.random.normal(k6, (VOCAB, HIDDEN), dtype=jnp.float32) * 0.02
    contig_table = contig_table.at[VOCAB - 1].set(0.0)  # padding_idx row zeroed
    ln_gamma = jnp.ones((HIDDEN,), dtype=jnp.float32)
    ln_beta = jnp.zeros((HIDDEN,), dtype=jnp.float32)
    return {
        'protein_embeddings': protein_embeddings,
        'contig_ids': contig_ids,
        'mlm_mask': mlm_mask,
        'W': W,
        'b': b,
        'mask_embed': mask_embed,
        'contig_table': contig_table,
        'ln_gamma': ln_gamma,
        'ln_beta': ln_beta,
    }


def reference(protein_embeddings, contig_ids, mlm_mask, W, b, mask_embed, contig_table, ln_gamma, ln_beta):
    # 1) project protein embeddings to model dim
    x = jnp.einsum('bsh,oh->bso', protein_embeddings, W) + b
    # 2) replace masked positions with learned mask embedding
    x = jnp.where(mlm_mask[..., None], mask_embed[None, None, :], x)
    # 3) add contig id embeddings (gather)
    x = x + jnp.take(contig_table, contig_ids, axis=0)
    # 4) layer norm (dropout is identity in eval)
    mean = jnp.mean(x, axis=-1, keepdims=True)
    var = jnp.mean(jnp.square(x - mean), axis=-1, keepdims=True)
    x = (x - mean) / jnp.sqrt(var + EPS)
    x = x * ln_gamma + ln_beta
    return x

if __name__ == "__main__":
    import jax
    _d = setup_inputs()
    print(jax.jit(kernel)(*tuple(_d.values())))

</pallas_src>

<mosaic_0001>
#map = affine_map<(d0, d1) -> (0)>
#map1 = affine_map<(d0, d1) -> (0, 0)>
module attributes {stable_mosaic.version = 14 : i64} {
  func.func @sck(%arg0: i32, %arg1: i32, %arg2: memref<24000xi32, #tpu.memory_space<hbm>>, %arg3: memref<1001x512xi32, #tpu.memory_space<hbm>>, %arg4: memref<24000x512xi32, #tpu.memory_space<hbm>>, %arg5: memref<240xi32, #tpu.memory_space<vmem>>, %arg6: memref<240x512xi32, #tpu.memory_space<vmem>>, %arg7: memref<!tpu.dma_semaphore, #tpu.memory_space<semaphore_mem>>) attributes {dimension_semantics = [#tpu.dimension_semantics<core_parallel>, #tpu.dimension_semantics<subcore_parallel>], iteration_bounds = array<i64: 2, 16>, scalar_prefetch = 0 : i64, scratch_operands = 3 : i64, tpu.core_type = #tpu.core_type<sc_vector_subcore>, window_params = [{transform_indices = #map}, {transform_indices = #map1}, {transform_indices = #map1}]} {
    %mul3A = arith.constant 2 : i32
    %mul3A_0 = arith.muli %arg1, %mul3A : i32
    %add3A = arith.addi %mul3A_0, %arg0 : i32
    %add3A_1 = arith.constant 0 : i32
    %add3A_2 = arith.addi %add3A_1, %add3A : i32
    %lt3A = arith.constant 100 : i32
    %lt3A_3 = arith.cmpi slt, %add3A_2, %lt3A : i32
    %convert_element_type3A = arith.extui %lt3A_3 : i1 to i32
    %cond3A = arith.constant 0 : i32
    %cond3A_4 = arith.cmpi ne, %convert_element_type3A, %cond3A : i32
    scf.if %cond3A_4 {
      %mul3A_26 = arith.constant 240 : i32
      %mul3A_27 = arith.muli %add3A_2, %mul3A_26 : i32
      "tpu.region"() ({
        %run_scoped3A = tpu.sem_alloc : memref<!tpu.dma_semaphore, #tpu.memory_space<semaphore_mem>>
        %dma_start3A_32 = tpu.memref_slice %arg2[%mul3A_27] : memref<24000xi32, #tpu.memory_space<hbm>> -> memref<240xi32, #tpu.memory_space<hbm>>
        %dma_start3A_33 = tpu.memref_slice %arg2[%mul3A_27] : memref<24000xi32, #tpu.memory_space<hbm>> -> memref<240xi32, #tpu.memory_space<hbm>>
        tpu.enqueue_dma source(%dma_start3A_33 : memref<240xi32, #tpu.memory_space<hbm>>) target(%arg5 : memref<240xi32, #tpu.memory_space<vmem>>) target_semaphore(%run_scoped3A : memref<!tpu.dma_semaphore, #tpu.memory_space<semaphore_mem>>)
        %dma_wait3A_34 = tpu.memref_slice %arg2[%mul3A_27] : memref<24000xi32, #tpu.memory_space<hbm>> -> memref<240xi32, #tpu.memory_space<hbm>>
        %dma_wait3A_35 = tpu.memref_slice %arg2[%mul3A_27] : memref<24000xi32, #tpu.memory_space<hbm>> -> memref<240xi32, #tpu.memory_space<hbm>>
        tpu.wait_dma2 semaphore(%run_scoped3A : memref<!tpu.dma_semaphore, #tpu.memory_space<semaphore_mem>>) src(%dma_wait3A_35 : memref<240xi32, #tpu.memory_space<hbm>>) dst(%arg5 : memref<240xi32, #tpu.memory_space<vmem>>)
        tpu.yield
      }) : () -> ()
      %dma_start3A = arith.constant 0 : i32
      %dma_start3A_28 = arith.constant 0 : i32
      %dma_start3A_29 = tpu.memref_slice %arg3[%dma_start3A, %dma_start3A_28] : memref<1001x512xi32, #tpu.memory_space<hbm>> -> memref<1001x512xi32, #tpu.memory_space<hbm>>
      tpu.enqueue_indirect_dma source(%dma_start3A_29 : memref<1001x512xi32, #tpu.memory_space<hbm>>) target(%arg6 : memref<240x512xi32, #tpu.memory_space<vmem>>) offsets(%arg5 : memref<240xi32, #tpu.memory_space<vmem>>) semaphore(%arg7 : memref<!tpu.dma_semaphore, #tpu.memory_space<semaphore_mem>>)
      %dma_wait3A = arith.constant 0 : i32
      %dma_wait3A_30 = arith.constant 0 : i32
      %dma_wait3A_31 = tpu.memref_slice %arg3[%dma_wait3A, %dma_wait3A_30] : memref<1001x512xi32, #tpu.memory_space<hbm>> -> memref<1001x512xi32, #tpu.memory_space<hbm>>
      tpu.wait_indirect_dma semaphore(%arg7 : memref<!tpu.dma_semaphore, #tpu.memory_space<semaphore_mem>>) src(%dma_wait3A_31 : memref<1001x512xi32, #tpu.memory_space<hbm>>) dst(%arg6 : memref<240x512xi32, #tpu.memory_space<vmem>>)
      "tpu.region"() ({
        %run_scoped3A = tpu.sem_alloc : memref<!tpu.dma_semaphore, #tpu.memory_space<semaphore_mem>>
        %dma_start3A_32 = arith.constant 0 : i32
        %dma_start3A_33 = tpu.memref_slice %arg4[%mul3A_27, %dma_start3A_32] : memref<24000x512xi32, #tpu.memory_space<hbm>> -> memref<240x512xi32, #tpu.memory_space<hbm>>
        %dma_start3A_34 = arith.constant 0 : i32
        %dma_start3A_35 = tpu.memref_slice %arg4[%mul3A_27, %dma_start3A_34] : memref<24000x512xi32, #tpu.memory_space<hbm>> -> memref<240x512xi32, #tpu.memory_space<hbm>>
        tpu.enqueue_dma source(%arg6 : memref<240x512xi32, #tpu.memory_space<vmem>>) target(%dma_start3A_35 : memref<240x512xi32, #tpu.memory_space<hbm>>) target_semaphore(%run_scoped3A : memref<!tpu.dma_semaphore, #tpu.memory_space<semaphore_mem>>)
        %dma_wait3A_36 = arith.constant 0 : i32
        %dma_wait3A_37 = tpu.memref_slice %arg4[%mul3A_27, %dma_wait3A_36] : memref<24000x512xi32, #tpu.memory_space<hbm>> -> memref<240x512xi32, #tpu.memory_space<hbm>>
        %dma_wait3A_38 = arith.constant 0 : i32
        %dma_wait3A_39 = tpu.memref_slice %arg4[%mul3A_27, %dma_wait3A_38] : memref<24000x512xi32, #tpu.memory_space<hbm>> -> memref<240x512xi32, #tpu.memory_space<hbm>>
        tpu.wait_dma2 semaphore(%run_scoped3A : memref<!tpu.dma_semaphore, #tpu.memory_space<semaphore_mem>>) src(%arg6 : memref<240x512xi32, #tpu.memory_space<vmem>>) dst(%dma_wait3A_39 : memref<240x512xi32, #tpu.memory_space<hbm>>)
        tpu.yield
      }) : () -> ()
    } else {
    }
    %add3A_5 = arith.constant 32 : i32
    %add3A_6 = arith.addi %add3A_5, %add3A : i32
    %lt3A_7 = arith.constant 100 : i32
    %lt3A_8 = arith.cmpi slt, %add3A_6, %lt3A_7 : i32
    %convert_element_type3A_9 = arith.extui %lt3A_8 : i1 to i32
    %cond3A_10 = arith.constant 0 : i32
    %cond3A_11 = arith.cmpi ne, %convert_element_type3A_9, %cond3A_10 : i32
    scf.if %cond3A_11 {
      %mul3A_26 = arith.constant 240 : i32
      %mul3A_27 = arith.muli %add3A_6, %mul3A_26 : i32
      "tpu.region"() ({
        %run_scoped3A = tpu.sem_alloc : memref<!tpu.dma_semaphore, #tpu.memory_space<semaphore_mem>>
        %dma_start3A_32 = tpu.memref_slice %arg2[%mul3A_27] : memref<24000xi32, #tpu.memory_space<hbm>> -> memref<240xi32, #tpu.memory_space<hbm>>
        %dma_start3A_33 = tpu.memref_slice %arg2[%mul3A_27] : memref<24000xi32, #tpu.memory_space<hbm>> -> memref<240xi32, #tpu.memory_space<hbm>>
        tpu.enqueue_dma source(%dma_start3A_33 : memref<240xi32, #tpu.memory_space<hbm>>) target(%arg5 : memref<240xi32, #tpu.memory_space<vmem>>) target_semaphore(%run_scoped3A : memref<!tpu.dma_semaphore, #tpu.memory_space<semaphore_mem>>)
        %dma_wait3A_34 = tpu.memref_slice %arg2[%mul3A_27] : memref<24000xi32, #tpu.memory_space<hbm>> -> memref<240xi32, #tpu.memory_space<hbm>>
        %dma_wait3A_35 = tpu.memref_slice %arg2[%mul3A_27] : memref<24000xi32, #tpu.memory_space<hbm>> -> memref<240xi32, #tpu.memory_space<hbm>>
        tpu.wait_dma2 semaphore(%run_scoped3A : memref<!tpu.dma_semaphore, #tpu.memory_space<semaphore_mem>>) src(%dma_wait3A_35 : memref<240xi32, #tpu.memory_space<hbm>>) dst(%arg5 : memref<240xi32, #tpu.memory_space<vmem>>)
        tpu.yield
      }) : () -> ()
      %dma_start3A = arith.constant 0 : i32
      %dma_start3A_28 = arith.constant 0 : i32
      %dma_start3A_29 = tpu.memref_slice %arg3[%dma_start3A, %dma_start3A_28] : memref<1001x512xi32, #tpu.memory_space<hbm>> -> memref<1001x512xi32, #tpu.memory_space<hbm>>
      tpu.enqueue_indirect_dma source(%dma_start3A_29 : memref<1001x512xi32, #tpu.memory_space<hbm>>) target(%arg6 : memref<240x512xi32, #tpu.memory_space<vmem>>) offsets(%arg5 : memref<240xi32, #tpu.memory_space<vmem>>) semaphore(%arg7 : memref<!tpu.dma_semaphore, #tpu.memory_space<semaphore_mem>>)
      %dma_wait3A = arith.constant 0 : i32
      %dma_wait3A_30 = arith.constant 0 : i32
      %dma_wait3A_31 = tpu.memref_slice %arg3[%dma_wait3A, %dma_wait3A_30] : memref<1001x512xi32, #tpu.memory_space<hbm>> -> memref<1001x512xi32, #tpu.memory_space<hbm>>
      tpu.wait_indirect_dma semaphore(%arg7 : memref<!tpu.dma_semaphore, #tpu.memory_space<semaphore_mem>>) src(%dma_wait3A_31 : memref<1001x512xi32, #tpu.memory_space<hbm>>) dst(%arg6 : memref<240x512xi32, #tpu.memory_space<vmem>>)
      "tpu.region"() ({
        %run_scoped3A = tpu.sem_alloc : memref<!tpu.dma_semaphore, #tpu.memory_space<semaphore_mem>>
        %dma_start3A_32 = arith.constant 0 : i32
        %dma_start3A_33 = tpu.memref_slice %arg4[%mul3A_27, %dma_start3A_32] : memref<24000x512xi32, #tpu.memory_space<hbm>> -> memref<240x512xi32, #tpu.memory_space<hbm>>
        %dma_start3A_34 = arith.constant 0 : i32
        %dma_start3A_35 = tpu.memref_slice %arg4[%mul3A_27, %dma_start3A_34] : memref<24000x512xi32, #tpu.memory_space<hbm>> -> memref<240x512xi32, #tpu.memory_space<hbm>>
        tpu.enqueue_dma source(%arg6 : memref<240x512xi32, #tpu.memory_space<vmem>>) target(%dma_start3A_35 : memref<240x512xi32, #tpu.memory_space<hbm>>) target_semaphore(%run_scoped3A : memref<!tpu.dma_semaphore, #tpu.memory_space<semaphore_mem>>)
        %dma_wait3A_36 = arith.constant 0 : i32
        %dma_wait3A_37 = tpu.memref_slice %arg4[%mul3A_27, %dma_wait3A_36] : memref<24000x512xi32, #tpu.memory_space<hbm>> -> memref<240x512xi32, #tpu.memory_space<hbm>>
        %dma_wait3A_38 = arith.constant 0 : i32
        %dma_wait3A_39 = tpu.memref_slice %arg4[%mul3A_27, %dma_wait3A_38] : memref<24000x512xi32, #tpu.memory_space<hbm>> -> memref<240x512xi32, #tpu.memory_space<hbm>>
        tpu.wait_dma2 semaphore(%run_scoped3A : memref<!tpu.dma_semaphore, #tpu.memory_space<semaphore_mem>>) src(%arg6 : memref<240x512xi32, #tpu.memory_space<vmem>>) dst(%dma_wait3A_39 : memref<240x512xi32, #tpu.memory_space<hbm>>)
        tpu.yield
      }) : () -> ()
    } else {
    }
    %add3A_12 = arith.constant 64 : i32
    %add3A_13 = arith.addi %add3A_12, %add3A : i32
    %lt3A_14 = arith.constant 100 : i32
    %lt3A_15 = arith.cmpi slt, %add3A_13, %lt3A_14 : i32
    %convert_element_type3A_16 = arith.extui %lt3A_15 : i1 to i32
    %cond3A_17 = arith.constant 0 : i32
    %cond3A_18 = arith.cmpi ne, %convert_element_type3A_16, %cond3A_17 : i32
    scf.if %cond3A_18 {
      %mul3A_26 = arith.constant 240 : i32
      %mul3A_27 = arith.muli %add3A_13, %mul3A_26 : i32
      "tpu.region"() ({
        %run_scoped3A = tpu.sem_alloc : memref<!tpu.dma_semaphore, #tpu.memory_space<semaphore_mem>>
        %dma_start3A_32 = tpu.memref_slice %arg2[%mul3A_27] : memref<24000xi32, #tpu.memory_space<hbm>> -> memref<240xi32, #tpu.memory_space<hbm>>
        %dma_start3A_33 = tpu.memref_slice %arg2[%mul3A_27] : memref<24000xi32, #tpu.memory_space<hbm>> -> memref<240xi32, #tpu.memory_space<hbm>>
        tpu.enqueue_dma source(%dma_start3A_33 : memref<240xi32, #tpu.memory_space<hbm>>) target(%arg5 : memref<240xi32, #tpu.memory_space<vmem>>) target_semaphore(%run_scoped3A : memref<!tpu.dma_semaphore, #tpu.memory_space<semaphore_mem>>)
        %dma_wait3A_34 = tpu.memref_slice %arg2[%mul3A_27] : memref<24000xi32, #tpu.memory_space<hbm>> -> memref<240xi32, #tpu.memory_space<hbm>>
        %dma_wait3A_35 = tpu.memref_slice %arg2[%mul3A_27] : memref<24000xi32, #tpu.memory_space<hbm>> -> memref<240xi32, #tpu.memory_space<hbm>>
        tpu.wait_dma2 semaphore(%run_scoped3A : memref<!tpu.dma_semaphore, #tpu.memory_space<semaphore_mem>>) src(%dma_wait3A_35 : memref<240xi32, #tpu.memory_space<hbm>>) dst(%arg5 : memref<240xi32, #tpu.memory_space<vmem>>)
        tpu.yield
      }) : () -> ()
      %dma_start3A = arith.constant 0 : i32
      %dma_start3A_28 = arith.constant 0 : i32
      %dma_start3A_29 = tpu.memref_slice %arg3[%dma_start3A, %dma_start3A_28] : memref<1001x512xi32, #tpu.memory_space<hbm>> -> memref<1001x512xi32, #tpu.memory_space<hbm>>
      tpu.enqueue_indirect_dma source(%dma_start3A_29 : memref<1001x512xi32, #tpu.memory_space<hbm>>) target(%arg6 : memref<240x512xi32, #tpu.memory_space<vmem>>) offsets(%arg5 : memref<240xi32, #tpu.memory_space<vmem>>) semaphore(%arg7 : memref<!tpu.dma_semaphore, #tpu.memory_space<semaphore_mem>>)
      %dma_wait3A = arith.constant 0 : i32
      %dma_wait3A_30 = arith.constant 0 : i32
      %dma_wait3A_31 = tpu.memref_slice %arg3[%dma_wait3A, %dma_wait3A_30] : memref<1001x512xi32, #tpu.memory_space<hbm>> -> memref<1001x512xi32, #tpu.memory_space<hbm>>
      tpu.wait_indirect_dma semaphore(%arg7 : memref<!tpu.dma_semaphore, #tpu.memory_space<semaphore_mem>>) src(%dma_wait3A_31 : memref<1001x512xi32, #tpu.memory_space<hbm>>) dst(%arg6 : memref<240x512xi32, #tpu.memory_space<vmem>>)
      "tpu.region"() ({
        %run_scoped3A = tpu.sem_alloc : memref<!tpu.dma_semaphore, #tpu.memory_space<semaphore_mem>>
        %dma_start3A_32 = arith.constant 0 : i32
        %dma_start3A_33 = tpu.memref_slice %arg4[%mul3A_27, %dma_start3A_32] : memref<24000x512xi32, #tpu.memory_space<hbm>> -> memref<240x512xi32, #tpu.memory_space<hbm>>
        %dma_start3A_34 = arith.constant 0 : i32
        %dma_start3A_35 = tpu.memref_slice %arg4[%mul3A_27, %dma_start3A_34] : memref<24000x512xi32, #tpu.memory_space<hbm>> -> memref<240x512xi32, #tpu.memory_space<hbm>>
        tpu.enqueue_dma source(%arg6 : memref<240x512xi32, #tpu.memory_space<vmem>>) target(%dma_start3A_35 : memref<240x512xi32, #tpu.memory_space<hbm>>) target_semaphore(%run_scoped3A : memref<!tpu.dma_semaphore, #tpu.memory_space<semaphore_mem>>)
        %dma_wait3A_36 = arith.constant 0 : i32
        %dma_wait3A_37 = tpu.memref_slice %arg4[%mul3A_27, %dma_wait3A_36] : memref<24000x512xi32, #tpu.memory_space<hbm>> -> memref<240x512xi32, #tpu.memory_space<hbm>>
        %dma_wait3A_38 = arith.constant 0 : i32
        %dma_wait3A_39 = tpu.memref_slice %arg4[%mul3A_27, %dma_wait3A_38] : memref<24000x512xi32, #tpu.memory_space<hbm>> -> memref<240x512xi32, #tpu.memory_space<hbm>>
        tpu.wait_dma2 semaphore(%run_scoped3A : memref<!tpu.dma_semaphore, #tpu.memory_space<semaphore_mem>>) src(%arg6 : memref<240x512xi32, #tpu.memory_space<vmem>>) dst(%dma_wait3A_39 : memref<240x512xi32, #tpu.memory_space<hbm>>)
        tpu.yield
      }) : () -> ()
    } else {
    }
    %add3A_19 = arith.constant 96 : i32
    %add3A_20 = arith.addi %add3A_19, %add3A : i32
    %lt3A_21 = arith.constant 100 : i32
    %lt3A_22 = arith.cmpi slt, %add3A_20, %lt3A_21 : i32
    %convert_element_type3A_23 = arith.extui %lt3A_22 : i1 to i32
    %cond3A_24 = arith.constant 0 : i32
    %cond3A_25 = arith.cmpi ne, %convert_element_type3A_23, %cond3A_24 : i32
    scf.if %cond3A_25 {
      %mul3A_26 = arith.constant 240 : i32
      %mul3A_27 = arith.muli %add3A_20, %mul3A_26 : i32
      "tpu.region"() ({
        %run_scoped3A = tpu.sem_alloc : memref<!tpu.dma_semaphore, #tpu.memory_space<semaphore_mem>>
        %dma_start3A_32 = tpu.memref_slice %arg2[%mul3A_27] : memref<24000xi32, #tpu.memory_space<hbm>> -> memref<240xi32, #tpu.memory_space<hbm>>
        %dma_start3A_33 = tpu.memref_slice %arg2[%mul3A_27] : memref<24000xi32, #tpu.memory_space<hbm>> -> memref<240xi32, #tpu.memory_space<hbm>>
        tpu.enqueue_dma source(%dma_start3A_33 : memref<240xi32, #tpu.memory_space<hbm>>) target(%arg5 : memref<240xi32, #tpu.memory_space<vmem>>) target_semaphore(%run_scoped3A : memref<!tpu.dma_semaphore, #tpu.memory_space<semaphore_mem>>)
        %dma_wait3A_34 = tpu.memref_slice %arg2[%mul3A_27] : memref<24000xi32, #tpu.memory_space<hbm>> -> memref<240xi32, #tpu.memory_space<hbm>>
        %dma_wait3A_35 = tpu.memref_slice %arg2[%mul3A_27] : memref<24000xi32, #tpu.memory_space<hbm>> -> memref<240xi32, #tpu.memory_space<hbm>>
        tpu.wait_dma2 semaphore(%run_scoped3A : memref<!tpu.dma_semaphore, #tpu.memory_space<semaphore_mem>>) src(%dma_wait3A_35 : memref<240xi32, #tpu.memory_space<hbm>>) dst(%arg5 : memref<240xi32, #tpu.memory_space<vmem>>)
        tpu.yield
      }) : () -> ()
      %dma_start3A = arith.constant 0 : i32
      %dma_start3A_28 = arith.constant 0 : i32
      %dma_start3A_29 = tpu.memref_slice %arg3[%dma_start3A, %dma_start3A_28] : memref<1001x512xi32, #tpu.memory_space<hbm>> -> memref<1001x512xi32, #tpu.memory_space<hbm>>
      tpu.enqueue_indirect_dma source(%dma_start3A_29 : memref<1001x512xi32, #tpu.memory_space<hbm>>) target(%arg6 : memref<240x512xi32, #tpu.memory_space<vmem>>) offsets(%arg5 : memref<240xi32, #tpu.memory_space<vmem>>) semaphore(%arg7 : memref<!tpu.dma_semaphore, #tpu.memory_space<semaphore_mem>>)
      %dma_wait3A = arith.constant 0 : i32
      %dma_wait3A_30 = arith.constant 0 : i32
      %dma_wait3A_31 = tpu.memref_slice %arg3[%dma_wait3A, %dma_wait3A_30] : memref<1001x512xi32, #tpu.memory_space<hbm>> -> memref<1001x512xi32, #tpu.memory_space<hbm>>
      tpu.wait_indirect_dma semaphore(%arg7 : memref<!tpu.dma_semaphore, #tpu.memory_space<semaphore_mem>>) src(%dma_wait3A_31 : memref<1001x512xi32, #tpu.memory_space<hbm>>) dst(%arg6 : memref<240x512xi32, #tpu.memory_space<vmem>>)
      "tpu.region"() ({
        %run_scoped3A = tpu.sem_alloc : memref<!tpu.dma_semaphore, #tpu.memory_space<semaphore_mem>>
        %dma_start3A_32 = arith.constant 0 : i32
        %dma_start3A_33 = tpu.memref_slice %arg4[%mul3A_27, %dma_start3A_32] : memref<24000x512xi32, #tpu.memory_space<hbm>> -> memref<240x512xi32, #tpu.memory_space<hbm>>
        %dma_start3A_34 = arith.constant 0 : i32
        %dma_start3A_35 = tpu.memref_slice %arg4[%mul3A_27, %dma_start3A_34] : memref<24000x512xi32, #tpu.memory_space<hbm>> -> memref<240x512xi32, #tpu.memory_space<hbm>>
        tpu.enqueue_dma source(%arg6 : memref<240x512xi32, #tpu.memory_space<vmem>>) target(%dma_start3A_35 : memref<240x512xi32, #tpu.memory_space<hbm>>) target_semaphore(%run_scoped3A : memref<!tpu.dma_semaphore, #tpu.memory_space<semaphore_mem>>)
        %dma_wait3A_36 = arith.constant 0 : i32
        %dma_wait3A_37 = tpu.memref_slice %arg4[%mul3A_27, %dma_wait3A_36] : memref<24000x512xi32, #tpu.memory_space<hbm>> -> memref<240x512xi32, #tpu.memory_space<hbm>>
        %dma_wait3A_38 = arith.constant 0 : i32
        %dma_wait3A_39 = tpu.memref_slice %arg4[%mul3A_27, %dma_wait3A_38] : memref<24000x512xi32, #tpu.memory_space<hbm>> -> memref<240x512xi32, #tpu.memory_space<hbm>>
        tpu.wait_dma2 semaphore(%run_scoped3A : memref<!tpu.dma_semaphore, #tpu.memory_space<semaphore_mem>>) src(%arg6 : memref<240x512xi32, #tpu.memory_space<vmem>>) dst(%dma_wait3A_39 : memref<240x512xi32, #tpu.memory_space<hbm>>)
        tpu.yield
      }) : () -> ()
    } else {
    }
    return
  }
}

module attributes {stable_mosaic.version = 14 : i64} {
  func.func @_body(%arg0: i32, %arg1: i32, %arg2: memref<4x6000xi32, #tpu.memory_space<vmem>>, %arg3: memref<1x600x960xf32, #tpu.memory_space<vmem>>, %arg4: memref<600x512xi32, #tpu.memory_space<vmem>>, %arg5: memref<960x960xf32, #tpu.memory_space<vmem>>, %arg6: memref<1x960xf32, #tpu.memory_space<vmem>>, %arg7: memref<1x960xf32, #tpu.memory_space<vmem>>, %arg8: memref<1x960xf32, #tpu.memory_space<vmem>>, %arg9: memref<1x960xf32, #tpu.memory_space<vmem>>, %arg10: memref<1x600x960xf32, #tpu.memory_space<vmem>>) attributes {dimension_semantics = [#tpu.dimension_semantics<parallel>, #tpu.dimension_semantics<parallel>], iteration_bounds = array<i64: 10, 4>, scalar_prefetch = 0 : i64, scratch_operands = 0 : i64, tpu.core_type = #tpu.core_type<tc>, window_params = [{pipeline_mode = #tpu.pipeline_mode<synchronous>, transform_indices = @transform_0, window_bounds = array<i64: 4, 6000>}, {transform_indices = @transform_1, window_bounds = array<i64: 1, 600, 960>}, {transform_indices = @transform_2, window_bounds = array<i64: 600, 512>}, {pipeline_mode = #tpu.pipeline_mode<synchronous>, transform_indices = @transform_3, window_bounds = array<i64: 960, 960>}, {pipeline_mode = #tpu.pipeline_mode<synchronous>, transform_indices = @transform_4, window_bounds = array<i64: 1, 960>}, {pipeline_mode = #tpu.pipeline_mode<synchronous>, transform_indices = @transform_5, window_bounds = array<i64: 1, 960>}, {pipeline_mode = #tpu.pipeline_mode<synchronous>, transform_indices = @transform_6, window_bounds = array<i64: 1, 960>}, {pipeline_mode = #tpu.pipeline_mode<synchronous>, transform_indices = @transform_7, window_bounds = array<i64: 1, 960>}, {transform_indices = @transform_8, window_bounds = array<i64: 1, 600, 960>}]} {
    %get3A = arith.constant 0 : index
    %get3A_0 = arith.constant 0 : index
    %get3A_1 = vector.load %arg2[%get3A, %get3A_0] : memref<4x6000xi32, #tpu.memory_space<vmem>>, vector<4x6000xi32>
    %iota3A = tpu.iota {dimensions = array<i32: 0>} : vector<4x1xi32>
    %eq3A = vector.broadcast %arg1 : i32 to vector<4x1xi32>
    %eq3A_2 = arith.cmpi eq, %iota3A, %eq3A : vector<4x1xi32>
    %jit3A = arith.constant 0 : i32
    %broadcast_in_dim3A = vector.shape_cast %eq3A_2 : vector<4x1xi1> to vector<4x1xi1>
    %broadcast_in_dim3A_3 = vector.broadcast %broadcast_in_dim3A : vector<4x1xi1> to vector<4x6000xi1>
    %broadcast_in_dim3A_4 = vector.broadcast %jit3A : i32 to vector<4x6000xi32>
    %select_n3A = arith.select %broadcast_in_dim3A_3, %get3A_1, %broadcast_in_dim3A_4 : vector<4x6000xi1>, vector<4x6000xi32>
    %reduce_sum3A = arith.constant dense<0> : vector<6000xi32>
    %reduce_sum3A_5 = vector.multi_reduction <add>, %select_n3A, %reduce_sum3A [0] : vector<4x6000xi32> to vector<6000xi32>
    %broadcast_in_dim3A_6 = vector.shape_cast %reduce_sum3A_5 : vector<6000xi32> to vector<1x6000xi32>
    %convert_element_type3A = arith.sitofp %broadcast_in_dim3A_6 : vector<1x6000xi32> to vector<1x6000xf32>
    %slice3A = vector.extract_strided_slice %convert_element_type3A {offsets = [0, 0], sizes = [1, 600], strides = [1, 1]} : vector<1x6000xf32> to vector<1x600xf32>
    %eq3A_7 = arith.constant 1 : i32
    %eq3A_8 = arith.cmpi eq, %arg0, %eq3A_7 : i32
    %slice3A_9 = vector.extract_strided_slice %convert_element_type3A {offsets = [0, 600], sizes = [1, 600], strides = [1, 1]} : vector<1x6000xf32> to vector<1x600xf32>
    %select_n3A_10 = arith.select %eq3A_8, %slice3A_9, %slice3A : vector<1x600xf32>
    %eq3A_11 = arith.constant 2 : i32
    %eq3A_12 = arith.cmpi eq, %arg0, %eq3A_11 : i32
    %slice3A_13 = vector.extract_strided_slice %convert_element_type3A {offsets = [0, 1200], sizes = [1, 600], strides = [1, 1]} : vector<1x6000xf32> to vector<1x600xf32>
    %select_n3A_14 = arith.select %eq3A_12, %slice3A_13, %select_n3A_10 : vector<1x600xf32>
    %eq3A_15 = arith.constant 3 : i32
    %eq3A_16 = arith.cmpi eq, %arg0, %eq3A_15 : i32
    %slice3A_17 = vector.extract_strided_slice %convert_element_type3A {offsets = [0, 1800], sizes = [1, 600], strides = [1, 1]} : vector<1x6000xf32> to vector<1x600xf32>
    %select_n3A_18 = arith.select %eq3A_16, %slice3A_17, %select_n3A_14 : vector<1x600xf32>
    %eq3A_19 = arith.constant 4 : i32
    %eq3A_20 = arith.cmpi eq, %arg0, %eq3A_19 : i32
    %slice3A_21 = vector.extract_strided_slice %convert_element_type3A {offsets = [0, 2400], sizes = [1, 600], strides = [1, 1]} : vector<1x6000xf32> to vector<1x600xf32>
    %select_n3A_22 = arith.select %eq3A_20, %slice3A_21, %select_n3A_18 : vector<1x600xf32>
    %eq3A_23 = arith.constant 5 : i32
    %eq3A_24 = arith.cmpi eq, %arg0, %eq3A_23 : i32
    %slice3A_25 = vector.extract_strided_slice %convert_element_type3A {offsets = [0, 3000], sizes = [1, 600], strides = [1, 1]} : vector<1x6000xf32> to vector<1x600xf32>
    %select_n3A_26 = arith.select %eq3A_24, %slice3A_25, %select_n3A_22 : vector<1x600xf32>
    %eq3A_27 = arith.constant 6 : i32
    %eq3A_28 = arith.cmpi eq, %arg0, %eq3A_27 : i32
    %slice3A_29 = vector.extract_strided_slice %convert_element_type3A {offsets = [0, 3600], sizes = [1, 600], strides = [1, 1]} : vector<1x6000xf32> to vector<1x600xf32>
    %select_n3A_30 = arith.select %eq3A_28, %slice3A_29, %select_n3A_26 : vector<1x600xf32>
    %eq3A_31 = arith.constant 7 : i32
    %eq3A_32 = arith.cmpi eq, %arg0, %eq3A_31 : i32
    %slice3A_33 = vector.extract_strided_slice %convert_element_type3A {offsets = [0, 4200], sizes = [1, 600], strides = [1, 1]} : vector<1x6000xf32> to vector<1x600xf32>
    %select_n3A_34 = arith.select %eq3A_32, %slice3A_33, %select_n3A_30 : vector<1x600xf32>
    %eq3A_35 = arith.constant 8 : i32
    %eq3A_36 = arith.cmpi eq, %arg0, %eq3A_35 : i32
    %slice3A_37 = vector.extract_strided_slice %convert_element_type3A {offsets = [0, 4800], sizes = [1, 600], strides = [1, 1]} : vector<1x6000xf32> to vector<1x600xf32>
    %select_n3A_38 = arith.select %eq3A_36, %slice3A_37, %select_n3A_34 : vector<1x600xf32>
    %eq3A_39 = arith.constant 9 : i32
    %eq3A_40 = arith.cmpi eq, %arg0, %eq3A_39 : i32
    %slice3A_41 = vector.extract_strided_slice %convert_element_type3A {offsets = [0, 5400], sizes = [1, 600], strides = [1, 1]} : vector<1x6000xf32> to vector<1x600xf32>
    %select_n3A_42 = arith.select %eq3A_40, %slice3A_41, %select_n3A_38 : vector<1x600xf32>
    %broadcast_in_dim3A_43 = arith.constant 1.000000e+00 : f32
    %broadcast_in_dim3A_44 = vector.broadcast %broadcast_in_dim3A_43 : f32 to vector<1x1xf32>
    %dot_general3A = arith.constant dense<0.000000e+00> : vector<600x1xf32>
    %dot_general3A_45 = tpu.matmul %select_n3A_42, %broadcast_in_dim3A_44, %dot_general3A {dimension_numbers = #tpu.dot_dimension_numbers<[0], [0], [1], [1], [0, 1, 1, 1], [], []>, precision = #tpu.contract_precision<fp32>, transpose_lhs_hint = false} : vector<1x600xf32>, vector<1x1xf32>, vector<600x1xf32> -> vector<600x1xf32>
    %get3A_46 = arith.constant 0 : index
    %get3A_47 = arith.constant 0 : index
    %get3A_48 = arith.constant 0 : index
    %get3A_49 = vector.load %arg3[%get3A_46, %get3A_47, %get3A_48] : memref<1x600x960xf32, #tpu.memory_space<vmem>>, vector<1x600x960xf32>
    %get3A_50 = vector.shape_cast %get3A_49 : vector<1x600x960xf32> to vector<600x960xf32>
    %convert_element_type3A_51 = arith.truncf %get3A_50 : vector<600x960xf32> to vector<600x960xbf16>
    %get3A_52 = arith.constant 0 : index
    %get3A_53 = arith.constant 0 : index
    %get3A_54 = vector.load %arg5[%get3A_52, %get3A_53] : memref<960x960xf32, #tpu.memory_space<vmem>>, vector<960x960xf32>
    %convert_element_type3A_55 = arith.truncf %get3A_54 : vector<960x960xf32> to vector<960x960xbf16>
    %dot_general3A_56 = arith.constant dense<0.000000e+00> : vector<600x960xf32>
    %dot_general3A_57 = tpu.matmul %convert_element_type3A_51, %convert_element_type3A_55, %dot_general3A_56 {dimension_numbers = #tpu.dot_dimension_numbers<[1], [1], [0], [0], [0, 0, 1, 0], [], []>, transpose_lhs_hint = false} : vector<600x960xbf16>, vector<960x960xbf16>, vector<600x960xf32> -> vector<600x960xf32>
    %get3A_58 = arith.constant 0 : index
    %get3A_59 = arith.constant 0 : index
    %get3A_60 = vector.load %arg6[%get3A_58, %get3A_59] : memref<1x960xf32, #tpu.memory_space<vmem>>, vector<1x960xf32>
    %add3A = vector.broadcast %get3A_60 : vector<1x960xf32> to vector<600x960xf32>
    %add3A_61 = arith.addf %dot_general3A_57, %add3A : vector<600x960xf32>
    %gt3A = arith.constant 5.000000e-01 : f32
    %gt3A_62 = vector.broadcast %gt3A : f32 to vector<600x1xf32>
    %gt3A_63 = arith.cmpf ogt, %dot_general3A_45, %gt3A_62 : vector<600x1xf32>
    %get3A_64 = arith.constant 0 : index
    %get3A_65 = arith.constant 0 : index
    %get3A_66 = vector.load %arg7[%get3A_64, %get3A_65] : memref<1x960xf32, #tpu.memory_space<vmem>>, vector<1x960xf32>
    %broadcast_in_dim3A_67 = vector.shape_cast %gt3A_63 : vector<600x1xi1> to vector<600x1xi1>
    %broadcast_in_dim3A_68 = vector.broadcast %broadcast_in_dim3A_67 : vector<600x1xi1> to vector<600x960xi1>
    %broadcast_in_dim3A_69 = vector.shape_cast %get3A_66 : vector<1x960xf32> to vector<1x960xf32>
    %broadcast_in_dim3A_70 = vector.broadcast %broadcast_in_dim3A_69 : vector<1x960xf32> to vector<600x960xf32>
    %select_n3A_71 = arith.select %broadcast_in_dim3A_68, %broadcast_in_dim3A_70, %add3A_61 : vector<600x960xi1>, vector<600x960xf32>
    %get3A_72 = arith.constant 0 : index
    %get3A_73 = arith.constant 0 : index
    %get3A_74 = vector.load %arg4[%get3A_72, %get3A_73] : memref<600x512xi32, #tpu.memory_space<vmem>>, vector<600x512xi32>
    %shift_left3A = arith.constant 16 : i32
    %shift_left3A_75 = vector.broadcast %shift_left3A : i32 to vector<600x512xi32>
    %shift_left3A_76 = arith.shli %get3A_74, %shift_left3A_75 : vector<600x512xi32>
    %bitcast_convert_type3A = tpu.bitcast %shift_left3A_76 : vector<600x512xi32> -> vector<600x512xf32>
    %and3A = arith.constant -65536 : i32
    %and3A_77 = vector.broadcast %and3A : i32 to vector<600x512xi32>
    %and3A_78 = arith.andi %get3A_74, %and3A_77 : vector<600x512xi32>
    %bitcast_convert_type3A_79 = tpu.bitcast %and3A_78 : vector<600x512xi32> -> vector<600x512xf32>
    %concatenate3A = tpu.concatenate %bitcast_convert_type3A, %bitcast_convert_type3A_79 in 1 : vector<600x512xf32>, vector<600x512xf32> -> vector<600x1024xf32>
    %slice3A_80 = vector.extract_strided_slice %concatenate3A {offsets = [0, 0], sizes = [600, 960], strides = [1, 1]} : vector<600x1024xf32> to vector<600x960xf32>
    %add3A_81 = arith.addf %select_n3A_71, %slice3A_80 : vector<600x960xf32>
    %reduce_sum3A_82 = arith.constant dense<0.000000e+00> : vector<600xf32>
    %reduce_sum3A_83 = vector.multi_reduction <add>, %add3A_81, %reduce_sum3A_82 [1] : vector<600x960xf32> to vector<600xf32>
    %broadcast_in_dim3A_84 = vector.shape_cast %reduce_sum3A_83 : vector<600xf32> to vector<600x1xf32>
    %div3A = arith.constant 9.600000e+02 : f32
    %div3A_85 = vector.broadcast %div3A : f32 to vector<600x1xf32>
    %div3A_86 = arith.divf %broadcast_in_dim3A_84, %div3A_85 : vector<600x1xf32>
    %sub3A = vector.broadcast %div3A_86 : vector<600x1xf32> to vector<600x960xf32>
    %sub3A_87 = arith.subf %add3A_81, %sub3A : vector<600x960xf32>
    %mul3A = arith.mulf %sub3A_87, %sub3A_87 : vector<600x960xf32>
    %reduce_sum3A_88 = arith.constant dense<0.000000e+00> : vector<600xf32>
    %reduce_sum3A_89 = vector.multi_reduction <add>, %mul3A, %reduce_sum3A_88 [1] : vector<600x960xf32> to vector<600xf32>
    %broadcast_in_dim3A_90 = vector.shape_cast %reduce_sum3A_89 : vector<600xf32> to vector<600x1xf32>
    %div3A_91 = arith.constant 9.600000e+02 : f32
    %div3A_92 = vector.broadcast %div3A_91 : f32 to vector<600x1xf32>
    %div3A_93 = arith.divf %broadcast_in_dim3A_90, %div3A_92 : vector<600x1xf32>
    %add3A_94 = arith.constant 9.99999996E-13 : f32
    %add3A_95 = vector.broadcast %add3A_94 : f32 to vector<600x1xf32>
    %add3A_96 = arith.addf %div3A_93, %add3A_95 : vector<600x1xf32>
    %rsqrt3A = math.rsqrt %add3A_96 : vector<600x1xf32>
    %mul3A_97 = vector.broadcast %rsqrt3A : vector<600x1xf32> to vector<600x960xf32>
    %mul3A_98 = arith.mulf %sub3A_87, %mul3A_97 : vector<600x960xf32>
    %get3A_99 = arith.constant 0 : index
    %get3A_100 = arith.constant 0 : index
    %get3A_101 = vector.load %arg8[%get3A_99, %get3A_100] : memref<1x960xf32, #tpu.memory_space<vmem>>, vector<1x960xf32>
    %mul3A_102 = vector.broadcast %get3A_101 : vector<1x960xf32> to vector<600x960xf32>
    %mul3A_103 = arith.mulf %mul3A_98, %mul3A_102 : vector<600x960xf32>
    %get3A_104 = arith.constant 0 : index
    %get3A_105 = arith.constant 0 : index
    %get3A_106 = vector.load %arg9[%get3A_104, %get3A_105] : memref<1x960xf32, #tpu.memory_space<vmem>>, vector<1x960xf32>
    %add3A_107 = vector.broadcast %get3A_106 : vector<1x960xf32> to vector<600x960xf32>
    %add3A_108 = arith.addf %mul3A_103, %add3A_107 : vector<600x960xf32>
    %swap3A = arith.constant 0 : index
    %swap3A_109 = arith.constant 0 : index
    %swap3A_110 = arith.constant 0 : index
    %swap3A_111 = vector.load %arg10[%swap3A, %swap3A_109, %swap3A_110] : memref<1x600x960xf32, #tpu.memory_space<vmem>>, vector<1x600x960xf32>
    %swap3A_112 = vector.shape_cast %swap3A_111 : vector<1x600x960xf32> to vector<600x960xf32>
    %swap3A_113 = vector.shape_cast %add3A_108 : vector<600x960xf32> to vector<1x600x960xf32>
    tpu.vector_store %arg10[%swap3A, %swap3A_109, %swap3A_110], %swap3A_113 {strides = array<i32>} : memref<1x600x960xf32, #tpu.memory_space<vmem>>, vector<1x600x960xf32>,
    return
  }
  func.func @transform_0(%arg0: i32, %arg1: i32) -> (i32, i32) {
    %c0_i32 = arith.constant 0 : i32
    %c0_i32_0 = arith.constant 0 : i32
    %c0_i32_1 = arith.constant 0 : i32
    return %c0_i32, %c0_i32_0 : i32, i32
  }
  func.func @transform_1(%arg0: i32, %arg1: i32) -> (i32, i32, i32) {
    %c0_i32 = arith.constant 0 : i32
    %c0_i32_0 = arith.constant 0 : i32
    return %arg1, %arg0, %c0_i32 : i32, i32, i32
  }
  func.func @transform_2(%arg0: i32, %arg1: i32) -> (i32, i32) {
    %mul3A = arith.constant 10 : i32
    %mul3A_0 = arith.muli %arg1, %mul3A : i32
    %add3A = arith.addi %mul3A_0, %arg0 : i32
    %c0_i32 = arith.constant 0 : i32
    %c0_i32_1 = arith.constant 0 : i32
    return %add3A, %c0_i32 : i32, i32
  }
  func.func @transform_3(%arg0: i32, %arg1: i32) -> (i32, i32) {
    %c0_i32 = arith.constant 0 : i32
    %c0_i32_0 = arith.constant 0 : i32
    %c0_i32_1 = arith.constant 0 : i32
    return %c0_i32, %c0_i32_0 : i32, i32
  }
  func.func @transform_4(%arg0: i32, %arg1: i32) -> (i32, i32) {
    %c0_i32 = arith.constant 0 : i32
    %c0_i32_0 = arith.constant 0 : i32
    %c0_i32_1 = arith.constant 0 : i32
    return %c0_i32, %c0_i32_0 : i32, i32
  }
  func.func @transform_5(%arg0: i32, %arg1: i32) -> (i32, i32) {
    %c0_i32 = arith.constant 0 : i32
    %c0_i32_0 = arith.constant 0 : i32
    %c0_i32_1 = arith.constant 0 : i32
    return %c0_i32, %c0_i32_0 : i32, i32
  }
  func.func @transform_6(%arg0: i32, %arg1: i32) -> (i32, i32) {
    %c0_i32 = arith.constant 0 : i32
    %c0_i32_0 = arith.constant 0 : i32
    %c0_i32_1 = arith.constant 0 : i32
    return %c0_i32, %c0_i32_0 : i32, i32
  }
  func.func @transform_7(%arg0: i32, %arg1: i32) -> (i32, i32) {
    %c0_i32 = arith.constant 0 : i32
    %c0_i32_0 = arith.constant 0 : i32
    %c0_i32_1 = arith.constant 0 : i32
    return %c0_i32, %c0_i32_0 : i32, i32
  }
  func.func @transform_8(%arg0: i32, %arg1: i32) -> (i32, i32, i32) {
    %c0_i32 = arith.constant 0 : i32
    %c0_i32_0 = arith.constant 0 : i32
    return %arg1, %arg0, %c0_i32 : i32, i32, i32
  }
}

</mosaic_0001>

<sc_bundles>
// kernel: kernel.4.cloned.1.call-start
scs
__scs_entry_jumppad:
0x0: {  	(pc) =	sbr.rel $0x88, $3  }
0x1: {  	(tag) =	ssettag $0x0;
	lr =	simm.s32 $0x1  }
0x2: {  	[smem:$0x3F98] =	sst lr;
	_ =	strace $0xD0000000  }
0x3: {  	_ = 	snop  }
0x4: {  	_ = 	snop  }
0x5: {  	_ = 	snop  }
0x6: {  	_ = 	snop  }
0x7: {  	_ = 	snop  }
__scs_overlays_trampoline_lowered:
0x8: {  	[smem:$0x3FA7] =	sst s0  }
0x9: {  	[smem:$0x3FA8] =	sst s1  }
0xa: {  	[smem:$0x3FA9] =	sst s2  }
0xb: {  	[smem:$0x3FAA] =	sst s3  }
0xc: {  	[smem:$0x3FAB] =	sst s4  }
0xd: {  	[smem:$0x3FAC] =	sst s5  }
0xe: {  	[smem:$0x3FAD] =	sst s6  }
0xf: {  	[smem:$0x3FAE] =	sst s7  }
0x10: {  	[smem:$0x3FAF] =	sst s8  }
0x11: {  	[smem:$0x3FB0] =	sst s9;
	s0 =	simm.s32 @!p0 $0x0  }
0x12: {  	s1 =	sld [smem:$0x3F96];
	s0 =	simm.s32 @p0 $0x1  }
0x13: {  	[smem:$0x3FB1] =	sst s0;
	s0 =	simm.s32 @!p1 $0x0  }
0x14: {  	s2 =	sld [smem:$0x3F95];
	s0 =	simm.s32 @p1 $0x1  }
0x15: {  	[smem:$0x3FB2] =	sst s0;
	s0 =	simm.s32 @!p2 $0x0  }
0x16: {  	s3 =	sld [smem:$0x3FDB];
	s0 =	simm.s32 @p2 $0x1  }
0x17: {  	s4 =	simm.s32 $0x1BF5;
	[smem:$0x3FB4] =	sst s0  }
0x18: {  	s0 =	sld [smem:$0x3F97];
	_ =	swait.ge [sflag:s4], $0x0  }
0x19: {  	s7 =	sld [smem:$0x3F98]  }
0x1a: {  	s8 =	sadd.s32 $0xFFFFE003, lr  }
0x1b: {  	s9 =	sadd.s32 $0xFFFFFEF7, lr;
	s5 =	simm.s32 $0xFFFFFFFF;
	p2 =	slt.u32 s8, $0xFFFFF086  }
0x1c: {  	p1 =	slt.u32 s9, $0xF7A;
	s5 =	simm.s32 @!p2 $0x0  }
0x1d: {  	s5 =	simm.s32 @p1 $0x1;
	p0 =	seq.s32 s7, s2  }
0x1e: {  	s7 =	smul.u32 @!p0 $0xF7A, s2;
	p2 =	seq.s32 @!p0 s5, $0x0  }
0x1f: {  	s9 =	smul.u32 $0xF7A, s1;
	s8 =	simm.s32 @!p0 $0x1BF5;
	p2 =	por !p2, p0  }
0x20: {  	[sflag:s8] =	ssyncset.s32 @!p0 $0xFFFFF086;
	s6 =	sadd.s32 @!p0 s3, s7;
	s7 =	simm.s32 @!p0 $0x108  }
0x21: {  	s3 =	sadd.s32 s3, s9;
	s6 =	sadd.s32 @!p0 $0x88, s6;
	s7 =	simm.s32 @p2 $0x1082  }
0x22: {  	[simem:s7], [sflag:s8] =	dma.local @!p0 [hbm:s6], $0xF7A  }
0x23: {  	s9 =	sor.u32 $0xD0000000, s2;
	s6 =	simm.s32 $0x108;
	_ =	swait.ge @!p0 [sflag:s8], $0x0  }
0x24: {  	s3 =	sadd.s32 $0x88, s3;
	s6 =	simm.s32 @!p1 $0x1082;
	[sflag:s4] =	ssyncset.s32 $0xFFFFF086  }
0x25: {  	[simem:s6], [sflag:s4] =	dma.local [hbm:s3], $0xF7A  }
0x26: {  	[smem:$0x3F98] =	sst s1;
	(tag) =	ssettag s2;
	_ =	strace s9  }
0x27: {  	s1 =	sld [smem:$0x3FA8]  }
0x28: {  	s2 =	sld [smem:$0x3FA9]  }
0x29: {  	s4 =	sld [smem:$0x3FAB]  }
0x2a: {  	p0 =	seq.s32 s5, $0x0;
	s5 =	sld [smem:$0x3FAC]  }
0x2b: {  	s6 =	sld [smem:$0x3FAD]  }
0x2c: {  	s7 =	sld [smem:$0x3FAE]  }
0x2d: {  	s3 =	simm.s32 $0x108;
	s8 =	sld [smem:$0x3FAF]  }
0x2e: {  	s3 =	simm.s32 @!p0 $0x1082;
	s9 =	sld [smem:$0x3FB0]  }
0x2f: {  	lr =	sadd.s32 s0, s3;
	s0 =	sld [smem:$0x3FA7]  }
0x30: {  	s3 =	sld [smem:$0x3FAA]  }
0x31: {  	[smem:$0x3FB3] =	sst s10  }
0x32: {  	s10 =	sld [smem:$0x3FB1];
	_ =	sdelay $0x3  }
0x33: {  	p0 =	seq.s32 s10, $0x1;
	s10 =	sld [smem:$0x3FB3];
	_ =	sdelay $0x3  }
0x34: {  	[smem:$0x3FB3] =	sst s10  }
0x35: {  	s10 =	sld [smem:$0x3FB2];
	_ =	sdelay $0x3  }
0x36: {  	p1 =	seq.s32 s10, $0x1;
	s10 =	sld [smem:$0x3FB3];
	_ =	sdelay $0x3  }
0x37: {  	[smem:$0x3FB3] =	sst s10  }
0x38: {  	s10 =	sld [smem:$0x3FB4]  }
0x39: {  	_ = 	snop;
	(pc) =	sbr.ind lr, $3  }
0x3a: {  	_ = 	snop  }
0x3b: {  	_ = 	snop  }
0x3c: {  	p2 =	seq.s32 s10, $0x1;
	s10 =	sld [smem:$0x3FB3]  }
0x3d: {  	_ =	shalt  }
0x3e: {  	_ =	shalt  }
0x3f: {  	_ =	shalt  }
0x40: {  	_ =	shalt  }
0x41: {  	_ =	shalt  }
0x42: {  	_ =	shalt  }
0x43: {  	_ =	shalt  }
0x44: {  	_ =	shalt  }
0x45: {  	_ =	shalt  }
0x46: {  	_ =	shalt  }
0x47: {  	_ =	shalt  }
0x48: {  	_ =	shalt  }
0x49: {  	_ =	shalt  }
0x4a: {  	_ =	shalt  }
0x4b: {  	_ =	shalt  }
0x4c: {  	_ =	shalt  }
0x4d: {  	_ =	shalt  }
0x4e: {  	_ =	shalt  }
0x4f: {  	_ =	shalt  }
0x50: {  	_ =	shalt  }
0x51: {  	_ =	shalt  }
0x52: {  	_ =	shalt  }
0x53: {  	_ =	shalt  }
0x54: {  	_ =	shalt  }
0x55: {  	_ =	shalt  }
0x56: {  	_ =	shalt  }
0x57: {  	_ =	shalt  }
0x58: {  	_ =	shalt  }
0x59: {  	_ =	shalt  }
0x5a: {  	_ =	shalt  }
0x5b: {  	_ =	shalt  }
0x5c: {  	_ =	shalt  }
0x5d: {  	_ =	shalt  }
0x5e: {  	_ =	shalt  }
0x5f: {  	_ =	shalt  }
0x60: {  	_ =	shalt  }
0x61: {  	_ =	shalt  }
0x62: {  	_ =	shalt  }
0x63: {  	_ =	shalt  }
0x64: {  	_ =	shalt  }
0x65: {  	_ =	shalt  }
0x66: {  	_ =	shalt  }
0x67: {  	_ =	shalt  }
0x68: {  	_ =	shalt  }
0x69: {  	_ =	shalt  }
0x6a: {  	_ =	shalt  }
0x6b: {  	_ =	shalt  }
0x6c: {  	_ =	shalt  }
0x6d: {  	_ =	shalt  }
0x6e: {  	_ =	shalt  }
0x6f: {  	_ =	shalt  }
0x70: {  	_ =	shalt  }
0x71: {  	_ =	shalt  }
0x72: {  	_ =	shalt  }
0x73: {  	_ =	shalt  }
0x74: {  	_ =	shalt  }
0x75: {  	_ =	shalt  }
0x76: {  	_ =	shalt  }
0x77: {  	_ =	shalt  }
0x78: {  	_ =	shalt  }
0x79: {  	_ =	shalt  }
0x7a: {  	_ =	shalt  }
0x7b: {  	_ =	shalt  }
0x7c: {  	_ =	shalt  }
0x7d: {  	_ =	shalt  }
0x7e: {  	_ =	shalt  }
0x7f: {  	_ =	shalt  }
0x80: {  	_ =	shalt  }
0x81: {  	_ =	shalt  }
0x82: {  	_ =	shalt  }
0x83: {  	_ =	shalt  }
0x84: {  	_ =	shalt  }
0x85: {  	_ =	shalt  }
0x86: {  	_ =	shalt  }
0x87: {  	_ =	shalt  }
.Lfunc_end0:
.L_simem_size_0:
called_computation_lowered:
.L_overlay_start_0:
0x88: {  	s2 =	sld [smem:$0x3FD9]  }
0x89: {  	s3 =	sld [smem:$0x3FFE];
	_ =	sdelay $0x1  }
0x8a: {  	s1 =	srdreg.scid  }
0x8b: {  	s0 =	sand.u32 $0x1, s1  }
0x8c: {  	s17 =	sshll.u32 s0, $0xA;
	s2 =	sadd.s32 s3, s2  }
0x8d: {  	s2 =	sadd.s32 s2, s17  }
0x8e: {  	[smem:$0x3FBF] =	sst s2  }
0x8f: {  	_ = 	snop  }
0x90: {  	s2 =	sld [smem:$0x3FD0];
	(tm) =	ssettm $0x1  }
0x91: {  	s18 =	sld [smem:$0x3FFB];
	_ =	sdelay $0x3  }
0x92: {  	_ =	strace s18  }
0x93: {  	s3 =	sld [smem:$0x3FFC];
	_ =	sdelay $0x3  }
0x94: {  	_ =	strace s3  }
0x95: {  	s3 =	sld [smem:$0x3FFD];
	_ =	sdelay $0x3  }
0x96: {  	_ =	strace s3  }
0x97: {  	_ =	strace $0x8FFFFFFF  }
0x98: {  	s19 =	sld [smem:$0x3FDB];
	_ =	sdelay $0x1  }
0x99: {  	s4 =	simm.s32 $_scs_section_size  }
0x9a: {  	s5 =	simm.s32 $_size__tile_overlayer_lowered;
	s6 =	simm.s32 $_tile_overlayer_lowered  }
0x9b: {  	s22 =	simm.s32 $0x1BFF;
	s21 =	sshll.u32 s6, $0x1;
	s3 =	sadd.s32 s4, s19  }
0x9c: {  	s7 =	simm.s32 $0x0;
	s20 =	sshll.u32 s5, $0x1;
	s5 =	sadd.s32 s21, s3  }
0x9d: {  	[timem:s7], [sflag:s22] =	dma.local [hbm:s5], s20  }
0x9e: {  	_ =	swait.ge [sflag:s22], s20  }
0x9f: {  	s4 =	ssub.s32 $0x0, s20;
	[sflag:s22] =	ssyncset.done $0x0  }
0xa0: {  	[sflag:s22] =	ssyncadd.s32 s4;
	_ =	sdelay $0x1  }
0xa1: {  	s23 =	simm.s32 $0x1B8B  }
0xa2: {  	_ =	swait.ge [sflag:s23], $0x1  }
0xa3: {  	[sflag:s23] =	ssyncset.done $0x0  }
0xa4: {  	s25 =	simm.s32 $0x1B8E;
	s24 =	sld [smem:$0x3FFE];
	[sflag:s23] =	ssyncadd.s32 $0xFFFFFFFF  }
0xa5: {  	s26 =	simm.s32 $execute0_lowered;
	[smem:$0x3FD2] =	sst s25  }
0xa6: {  	s5 =	sshll.u32 s26, $0x1;
	_ =	strace $0x80000046;
	[dreg:$0x1] =	wrdreg $0xFFFFFFFF  }
0xa7: {  	s28 =	simm.s32 $_size_execute0_lowered;
	s3 =	sadd.s32 s3, s5;
	[dreg:$0x0] =	wrdreg $0x0  }
0xa8: {  	s5 =	sshll.u32 s28, $0x1;
	[dreg:$0x2] =	wrdreg s3  }
0xa9: {  	[dreg:$0x3] =	wrdreg s5  }
0xaa: {  	[dreg:$0x4] =	wrdreg $0xC0  }
0xab: {  	_ =	task [dreg:s7], $0x5FFFF  }
0xac: {  	[dreg:$0x1] =	wrdreg $0xFFFFFFFF  }
0xad: {  	[dreg:$0x0] =	wrdreg $0x60  }
0xae: {  	[dreg:$0x2] =	wrdreg s24  }
0xaf: {  	[dreg:$0x3] =	wrdreg s2  }
0xb0: {  	[dreg:$0x4] =	wrdreg $0x9  }
0xb1: {  	_ =	task.clear_ibuf [dreg:s7], $0x5FFFF;
	_ =	strace $0x90000046  }
0xb2: {  	s29 =	simm.s32 $0x9;
	_ =	strace $0x80000048  }
0xb3: {  	_ =	swait.ge [sflag:s29], $0x1  }
0xb4: {  	[sflag:s29] =	ssyncadd.s32 $0xFFFFFFFF  }
0xb5: {  	_ =	strace $0x90000048  }
0xb6: {  	_ =	sfence  }
0xb7: {  	s30 =	sld [smem:$0x0];
	_ =	sdelay $0x2  }
0xb8: {  	s31 =	sshll.u32 s1, $0xD;
	s1 =	sshrl.u32 s1, $0x2  }
0xb9: {  	s3 =	sand.u32 $0x4000, s31;
	s1 =	sadd.s32 s1, s30  }
0xba: {  	s0 =	sor.u32 s3, s0;
	s1 =	sshll.u32 s1, $0x11  }
0xbb: {  	s0 =	sor.u32 s1, s0  }
0xbc: {  	s0 =	sadd.s32 $0x8F2B, s0  }
0xbd: {  	[sflag:s0] =	ssyncadd.remote.s32 $0x1  }
0xbe: {  	_ =	sfence.sel $0xFFFF  }
0xbf: {  	[dreg:$0x0] =	wrdreg $0xFFFFFFFF;
	(pc) =	sbr.abs _section_cstart, $3  }
0xc0: {  	[dreg:$0x1] =	wrdreg $0xFFFFFFFF  }
0xc1: {  	_ =	task.clear_ibuf [dreg:s7], $0x2FFFF;
	_ =	strace $0x9FFFFFFF  }
0xc2: {  	(tm) =	ssettm $0x7FFFFFFF  }
0xc3: {  	_ =	shalt  }
tec
execute0_lowered:
.L_overlay_start_1:
0x0: {  	(tag) =	ssettag $0x1  }
0x1: {  	s0 =	srdreg.scid  }
0x2: {  	s14 =	stileid.u32;
	s1 =	rddreg [dreg:$0x0]  }
0x3: {  	s4 =	rddreg [dreg:$0x1];
	s0 =	sand.u32 $0x1, s0;
	s2 =	sshll.u32 s14, $0x1  }
0x4: {  	s8 =	sadd.s32 $0xC00, s1;
	p0 =	sgt.u32 s14, $0x1;
	s5 =	sor.u32 s0, s2  }
0x5: {  	s14 =	simm.s32 $0x2;
	s2 =	simm.s32 $0x0;
	s6 =	smul.u32 $0x1E, s5  }
0x6: {  	s0 =	ssub.s32 $0x2, s0;
	[smem:$0x7FF] =	sst s2;
	s7 =	smul.u32 $0x3C00, s5  }
0x7: {  	s3 =	sor.u32 $0x20, s5;
	s11 =	sor.u32 $0x40, s5;
	s12 =	sshrl.u32 s0, $0x1  }
0x8: {  	s21 =	sor.u32 $0x60, s5;
	s5 =	sadd.s32 $0x1900, s1;
	s9 =	smul.u32 $0x1E, s3  }
0x9: {  	_ =	strace $0x80000047;
	s10 =	smul.u32 $0x3C00, s3;
	s22 =	sadd.s32 s8, s6  }
0xa: {  	s13 =	smul.u32 $0x1E, s11;
	s24 =	sadd.s32 s4, s7;
	[dreg:$0x3] =	wrdreg s22  }
0xb: {  	s11 =	smul.u32 $0x3C00, s11;
	[dreg:$0x4] =	wrdreg s24;
	s25 =	sadd.s32 s8, s9  }
0xc: {  	s23 =	smul.u32 $0x1E, s21;
	s28 =	sadd.s32 s4, s10;
	[dreg:$0x5] =	wrdreg s25  }
.Ltmp0:
0xd: {  	s29 =	sadd.s32 s8, s13;
	[dreg:$0x6] =	wrdreg s28;
	(pc) =	sbr.rel .LBB2_1-.Ltmp0, $4  }
0xe: {  	s26 =	smul.u32 $0x3C00, s21;
	s30 =	sadd.s32 s4, s11;
	[dreg:$0x7] =	wrdreg s29  }
0xf: {  	v2 =	vlaneseq.u32;
	s3 =	sadd.s32 $0x1800, s1;
	s1 =	sadd.s32 s8, s23;
	[dreg:$0x8] =	wrdreg s30  }
0x10: {  	vm0 =	vmmov $0xffff;
	v1 =	vshrl.u32 v2, $0x3;
	s0 =	ssub.s32 s0, s12;
	s31 =	sadd.s32 s4, s26;
	[dreg:$0x9] =	wrdreg s1  }
0x11: {  	v0 =	vand.u32 $0x7, v2;
	v2 =	vor.u32 $0x8, v2;
	v1 =	vmul.u32 $0x8, v1;
	s13 =	smax.u32 s0, $0x1;
	[dreg:$0xa] =	wrdreg s31;
	s25 =	simm.s32 $0x1  }
.LBB2_3:
0x12: {  	s13 =	sadd.s32 $0xFFFFFFFF, s13  }
0x13: {  	p1 =	sne.s32 s13, $0x0  }
.Ltmp1:
0x14: {  	_ = 	snop;
	(pc) =	sbr.rel @!p1 .LBB2_4-.Ltmp1, $1  }
0x15: {  	_ =	sdelay $0x3  }
.LBB2_1:
0x16: {  	s26 =	rddreg [dreg:$0x3]  }
0x17: {  	[tilespmem:s2], [sflag:$0x2] =	stream.linear.gather [hbm4b:s26+s2], $0xF0, $0x38;
	[tilespmem:$0x1E100] =	vst v63  }
0x18: {  	_ =	swait.ge [sflag:s14], $0xF0  }
0x19: {  	[sflag:s14] =	ssyncset.done $0x0  }
0x1a: {  	[sflag:s14] =	ssyncadd.s32 $0xFFFFFF10  }
0x1b: {  	v3 =	vld [tilespmem:$0x0];
	_ =	sdelay $0x4  }
0x1c: {  	v4 =	vshll.u32 v3, $0x2  }
0x1d: {  	v3 =	vand.u32 $0x7, v3;
	v4 =	vand.u32 $0xFFFFFFE0, v4  }
0x1e: {  	v3 =	vor.u32 v3, v4  }
0x1f: {  	v4 =	vperm.xlane v3, v0;
	_ =	sdelay $0x1  }
0x20: {  	v4 =	vadd.s32 v1, v4;
	_ =	sdelay $0x1  }
0x21: {  	v3 =	vperm.xlane v3, v2;
	_ =	sdelay $0x1  }
0x22: {  	s0 =	simm.s32 $0x100;
	v3 =	vadd.s32 v1, v3  }
0x23: {  	[tilespmem:s0], [sflag:$0x1] =	stream.indirect_vreg.gather [hbm4b:s3+s2], $0x80, v4, vm0, $0xb8;
	[tilespmem:$0x1E100] =	vst v63  }
0x24: {  	s28 =	simm.s32 $0x900  }
0x25: {  	[tilespmem:s28], [sflag:$0x1] =	stream.indirect_vreg.gather [hbm4b:s5+s2], $0x80, v4, vm0, $0xb8;
	[tilespmem:$0x1E100] =	vst v63  }
0x26: {  	s30 =	simm.s32 $0x1100  }
0x27: {  	[tilespmem:s30], [sflag:$0x1] =	stream.indirect_vreg.gather [hbm4b:s3+s2], $0x80, v3, vm0, $0xb8;
	[tilespmem:$0x1E100] =	vst v63  }
0x28: {  	s31 =	simm.s32 $0x1900  }
0x29: {  	[tilespmem:s31], [sflag:$0x1] =	stream.indirect_vreg.gather [hbm4b:s5+s2], $0x80, v3, vm0, $0xb8;
	[tilespmem:$0x1E100] =	vst v63  }
0x2a: {  	v3 =	vld [tilespmem:$0x10];
	_ =	sdelay $0x4  }
0x2b: {  	v20 =	vshll.u32 v3, $0x2  }
0x2c: {  	v3 =	vand.u32 $0x7, v3;
	v4 =	vand.u32 $0xFFFFFFE0, v20  }
0x2d: {  	v3 =	vor.u32 v3, v4  }
0x2e: {  	v4 =	vperm.xlane v3, v0;
	_ =	sdelay $0x1  }
0x2f: {  	v4 =	vadd.s32 v1, v4;
	_ =	sdelay $0x1  }
0x30: {  	v3 =	vperm.xlane v3, v2;
	_ =	sdelay $0x1  }
0x31: {  	s1 =	simm.s32 $0x2100;
	v3 =	vadd.s32 v1, v3  }
0x32: {  	[tilespmem:s1], [sflag:$0x1] =	stream.indirect_vreg.gather [hbm4b:s3+s2], $0x80, v4, vm0, $0xb8;
	[tilespmem:$0x1E100] =	vst v63  }
0x33: {  	s4 =	simm.s32 $0x2900  }
0x34: {  	[tilespmem:s4], [sflag:$0x1] =	stream.indirect_vreg.gather [hbm4b:s5+s2], $0x80, v4, vm0, $0xb8;
	[tilespmem:$0x1E100] =	vst v63  }
0x35: {  	s11 =	simm.s32 $0x3100  }
0x36: {  	[tilespmem:s11], [sflag:$0x1] =	stream.indirect_vreg.gather [hbm4b:s3+s2], $0x80, v3, vm0, $0xb8;
	[tilespmem:$0x1E100] =	vst v63  }
0x37: {  	s12 =	simm.s32 $0x3900  }
0x38: {  	[tilespmem:s12], [sflag:$0x1] =	stream.indirect_vreg.gather [hbm4b:s5+s2], $0x80, v3, vm0, $0xb8;
	[tilespmem:$0x1E100] =	vst v63  }
0x39: {  	v3 =	vld [tilespmem:$0x20];
	_ =	sdelay $0x4  }
0x3a: {  	v21 =	vshll.u32 v3, $0x2  }
0x3b: {  	v3 =	vand.u32 $0x7, v3;
	v4 =	vand.u32 $0xFFFFFFE0, v21  }
0x3c: {  	v3 =	vor.u32 v3, v4  }
0x3d: {  	v4 =	vperm.xlane v3, v0;
	_ =	sdelay $0x1  }
0x3e: {  	v4 =	vadd.s32 v1, v4;
	_ =	sdelay $0x1  }
0x3f: {  	v3 =	vperm.xlane v3, v2;
	_ =	sdelay $0x1  }
0x40: {  	s4 =	simm.s32 $0x4100;
	v3 =	vadd.s32 v1, v3  }
0x41: {  	[tilespmem:s4], [sflag:$0x1] =	stream.indirect_vreg.gather [hbm4b:s3+s2], $0x80, v4, vm0, $0xb8;
	[tilespmem:$0x1E100] =	vst v63  }
0x42: {  	s6 =	simm.s32 $0x4900  }
0x43: {  	[tilespmem:s6], [sflag:$0x1] =	stream.indirect_vreg.gather [hbm4b:s5+s2], $0x80, v4, vm0, $0xb8;
	[tilespmem:$0x1E100] =	vst v63  }
0x44: {  	s7 =	simm.s32 $0x5100  }
0x45: {  	[tilespmem:s7], [sflag:$0x1] =	stream.indirect_vreg.gather [hbm4b:s3+s2], $0x80, v3, vm0, $0xb8;
	[tilespmem:$0x1E100] =	vst v63  }
0x46: {  	s8 =	simm.s32 $0x5900  }
0x47: {  	[tilespmem:s8], [sflag:$0x1] =	stream.indirect_vreg.gather [hbm4b:s5+s2], $0x80, v3, vm0, $0xb8;
	[tilespmem:$0x1E100] =	vst v63  }
0x48: {  	v3 =	vld [tilespmem:$0x30];
	_ =	sdelay $0x4  }
0x49: {  	v22 =	vshll.u32 v3, $0x2  }
0x4a: {  	v3 =	vand.u32 $0x7, v3;
	v4 =	vand.u32 $0xFFFFFFE0, v22  }
0x4b: {  	v3 =	vor.u32 v3, v4  }
0x4c: {  	v4 =	vperm.xlane v3, v0;
	_ =	sdelay $0x1  }
0x4d: {  	v4 =	vadd.s32 v1, v4;
	_ =	sdelay $0x1  }
0x4e: {  	v3 =	vperm.xlane v3, v2;
	_ =	sdelay $0x1  }
0x4f: {  	s9 =	simm.s32 $0x6100;
	v3 =	vadd.s32 v1, v3  }
0x50: {  	[tilespmem:s9], [sflag:$0x1] =	stream.indirect_vreg.gather [hbm4b:s3+s2], $0x80, v4, vm0, $0xb8;
	[tilespmem:$0x1E100] =	vst v63  }
0x51: {  	s10 =	simm.s32 $0x6900  }
0x52: {  	[tilespmem:s10], [sflag:$0x1] =	stream.indirect_vreg.gather [hbm4b:s5+s2], $0x80, v4, vm0, $0xb8;
	[tilespmem:$0x1E100] =	vst v63  }
0x53: {  	s16 =	simm.s32 $0x7100  }
0x54: {  	[tilespmem:s16], [sflag:$0x1] =	stream.indirect_vreg.gather [hbm4b:s3+s2], $0x80, v3, vm0, $0xb8;
	[tilespmem:$0x1E100] =	vst v63  }
0x55: {  	s17 =	simm.s32 $0x7900  }
0x56: {  	[tilespmem:s17], [sflag:$0x1] =	stream.indirect_vreg.gather [hbm4b:s5+s2], $0x80, v3, vm0, $0xb8;
	[tilespmem:$0x1E100] =	vst v63  }
0x57: {  	v3 =	vld [tilespmem:$0x40];
	_ =	sdelay $0x4  }
0x58: {  	v23 =	vshll.u32 v3, $0x2  }
0x59: {  	v3 =	vand.u32 $0x7, v3;
	v4 =	vand.u32 $0xFFFFFFE0, v23  }
0x5a: {  	v3 =	vor.u32 v3, v4  }
0x5b: {  	v4 =	vperm.xlane v3, v0;
	_ =	sdelay $0x1  }
0x5c: {  	v4 =	vadd.s32 v1, v4;
	_ =	sdelay $0x1  }
0x5d: {  	v3 =	vperm.xlane v3, v2;
	_ =	sdelay $0x1  }
0x5e: {  	s18 =	simm.s32 $0x8100;
	v3 =	vadd.s32 v1, v3  }
0x5f: {  	[tilespmem:s18], [sflag:$0x1] =	stream.indirect_vreg.gather [hbm4b:s3+s2], $0x80, v4, vm0, $0xb8;
	[tilespmem:$0x1E100] =	vst v63  }
0x60: {  	s19 =	simm.s32 $0x8900  }
0x61: {  	[tilespmem:s19], [sflag:$0x1] =	stream.indirect_vreg.gather [hbm4b:s5+s2], $0x80, v4, vm0, $0xb8;
	[tilespmem:$0x1E100] =	vst v63  }
0x62: {  	s20 =	simm.s32 $0x9100  }
0x63: {  	[tilespmem:s20], [sflag:$0x1] =	stream.indirect_vreg.gather [hbm4b:s3+s2], $0x80, v3, vm0, $0xb8;
	[tilespmem:$0x1E100] =	vst v63  }
0x64: {  	s21 =	simm.s32 $0x9900  }
0x65: {  	[tilespmem:s21], [sflag:$0x1] =	stream.indirect_vreg.gather [hbm4b:s5+s2], $0x80, v3, vm0, $0xb8;
	[tilespmem:$0x1E100] =	vst v63  }
0x66: {  	v3 =	vld [tilespmem:$0x50];
	_ =	sdelay $0x4  }
0x67: {  	v24 =	vshll.u32 v3, $0x2  }
0x68: {  	v3 =	vand.u32 $0x7, v3;
	v4 =	vand.u32 $0xFFFFFFE0, v24  }
0x69: {  	v3 =	vor.u32 v3, v4  }
0x6a: {  	v4 =	vperm.xlane v3, v0;
	_ =	sdelay $0x1  }
0x6b: {  	v4 =	vadd.s32 v1, v4;
	_ =	sdelay $0x1  }
0x6c: {  	v3 =	vperm.xlane v3, v2;
	_ =	sdelay $0x1  }
0x6d: {  	s22 =	simm.s32 $0xA100;
	v3 =	vadd.s32 v1, v3  }
0x6e: {  	[tilespmem:s22], [sflag:$0x1] =	stream.indirect_vreg.gather [hbm4b:s3+s2], $0x80, v4, vm0, $0xb8;
	[tilespmem:$0x1E100] =	vst v63  }
0x6f: {  	s23 =	simm.s32 $0xA900  }
0x70: {  	[tilespmem:s23], [sflag:$0x1] =	stream.indirect_vreg.gather [hbm4b:s5+s2], $0x80, v4, vm0, $0xb8;
	[tilespmem:$0x1E100] =	vst v63  }
0x71: {  	s24 =	simm.s32 $0xB100  }
0x72: {  	[tilespmem:s24], [sflag:$0x1] =	stream.indirect_vreg.gather [hbm4b:s3+s2], $0x80, v3, vm0, $0xb8;
	[tilespmem:$0x1E100] =	vst v63  }
0x73: {  	s29 =	simm.s32 $0xB900  }
0x74: {  	[tilespmem:s29], [sflag:$0x1] =	stream.indirect_vreg.gather [hbm4b:s5+s2], $0x80, v3, vm0, $0xb8;
	[tilespmem:$0x1E100] =	vst v63  }
0x75: {  	v3 =	vld [tilespmem:$0x60];
	_ =	sdelay $0x4  }
0x76: {  	v25 =	vshll.u32 v3, $0x2  }
0x77: {  	v3 =	vand.u32 $0x7, v3;
	v4 =	vand.u32 $0xFFFFFFE0, v25  }
0x78: {  	v3 =	vor.u32 v3, v4  }
0x79: {  	v4 =	vperm.xlane v3, v0;
	_ =	sdelay $0x1  }
0x7a: {  	v4 =	vadd.s32 v1, v4;
	_ =	sdelay $0x1  }
0x7b: {  	v3 =	vperm.xlane v3, v2;
	_ =	sdelay $0x1  }
0x7c: {  	s15 =	simm.s32 $0xC100;
	v3 =	vadd.s32 v1, v3  }
0x7d: {  	[tilespmem:s15], [sflag:$0x1] =	stream.indirect_vreg.gather [hbm4b:s3+s2], $0x80, v4, vm0, $0xb8;
	[tilespmem:$0x1E100] =	vst v63  }
0x7e: {  	s26 =	simm.s32 $0xC900  }
0x7f: {  	[tilespmem:s26], [sflag:$0x1] =	stream.indirect_vreg.gather [hbm4b:s5+s2], $0x80, v4, vm0, $0xb8;
	[tilespmem:$0x1E100] =	vst v63  }
0x80: {  	s26 =	simm.s32 $0xD100  }
0x81: {  	[tilespmem:s26], [sflag:$0x1] =	stream.indirect_vreg.gather [hbm4b:s3+s2], $0x80, v3, vm0, $0xb8;
	[tilespmem:$0x1E100] =	vst v63  }
0x82: {  	s26 =	simm.s32 $0xD900  }
0x83: {  	[tilespmem:s26], [sflag:$0x1] =	stream.indirect_vreg.gather [hbm4b:s5+s2], $0x80, v3, vm0, $0xb8;
	[tilespmem:$0x1E100] =	vst v63  }
0x84: {  	v3 =	vld [tilespmem:$0x70];
	_ =	sdelay $0x4  }
0x85: {  	v26 =	vshll.u32 v3, $0x2  }
0x86: {  	v3 =	vand.u32 $0x7, v3;
	v4 =	vand.u32 $0xFFFFFFE0, v26  }
0x87: {  	v3 =	vor.u32 v3, v4  }
0x88: {  	v4 =	vperm.xlane v3, v0;
	_ =	sdelay $0x1  }
0x89: {  	v4 =	vadd.s32 v1, v4;
	_ =	sdelay $0x1  }
0x8a: {  	v3 =	vperm.xlane v3, v2;
	_ =	sdelay $0x1  }
0x8b: {  	s26 =	simm.s32 $0xE100;
	v3 =	vadd.s32 v1, v3  }
0x8c: {  	[tilespmem:s26], [sflag:$0x1] =	stream.indirect_vreg.gather [hbm4b:s3+s2], $0x80, v4, vm0, $0xb8;
	[tilespmem:$0x1E100] =	vst v63  }
0x8d: {  	s26 =	simm.s32 $0xE900  }
0x8e: {  	[tilespmem:s26], [sflag:$0x1] =	stream.indirect_vreg.gather [hbm4b:s5+s2], $0x80, v4, vm0, $0xb8;
	[tilespmem:$0x1E100] =	vst v63  }
0x8f: {  	s26 =	simm.s32 $0xF100  }
0x90: {  	[tilespmem:s26], [sflag:$0x1] =	stream.indirect_vreg.gather [hbm4b:s3+s2], $0x80, v3, vm0, $0xb8;
	[tilespmem:$0x1E100] =	vst v63  }
0x91: {  	s26 =	simm.s32 $0xF900  }
0x92: {  	[tilespmem:s26], [sflag:$0x1] =	stream.indirect_vreg.gather [hbm4b:s5+s2], $0x80, v3, vm0, $0xb8;
	[tilespmem:$0x1E100] =	vst v63  }
0x93: {  	v3 =	vld [tilespmem:$0x80];
	_ =	sdelay $0x4  }
0x94: {  	v27 =	vshll.u32 v3, $0x2  }
0x95: {  	v3 =	vand.u32 $0x7, v3;
	v4 =	vand.u32 $0xFFFFFFE0, v27  }
0x96: {  	v3 =	vor.u32 v3, v4  }
0x97: {  	v4 =	vperm.xlane v3, v0;
	_ =	sdelay $0x1  }
0x98: {  	v4 =	vadd.s32 v1, v4;
	_ =	sdelay $0x1  }
0x99: {  	v3 =	vperm.xlane v3, v2;
	_ =	sdelay $0x1  }
0x9a: {  	s26 =	simm.s32 $0x10100;
	v3 =	vadd.s32 v1, v3  }
0x9b: {  	[tilespmem:s26], [sflag:$0x1] =	stream.indirect_vreg.gather [hbm4b:s3+s2], $0x80, v4, vm0, $0xb8;
	[tilespmem:$0x1E100] =	vst v63  }
0x9c: {  	s26 =	simm.s32 $0x10900  }
0x9d: {  	[tilespmem:s26], [sflag:$0x1] =	stream.indirect_vreg.gather [hbm4b:s5+s2], $0x80, v4, vm0, $0xb8;
	[tilespmem:$0x1E100] =	vst v63  }
0x9e: {  	s26 =	simm.s32 $0x11100  }
0x9f: {  	[tilespmem:s26], [sflag:$0x1] =	stream.indirect_vreg.gather [hbm4b:s3+s2], $0x80, v3, vm0, $0xb8;
	[tilespmem:$0x1E100] =	vst v63  }
0xa0: {  	s26 =	simm.s32 $0x11900  }
0xa1: {  	[tilespmem:s26], [sflag:$0x1] =	stream.indirect_vreg.gather [hbm4b:s5+s2], $0x80, v3, vm0, $0xb8;
	[tilespmem:$0x1E100] =	vst v63  }
0xa2: {  	v3 =	vld [tilespmem:$0x90];
	_ =	sdelay $0x4  }
0xa3: {  	v28 =	vshll.u32 v3, $0x2  }
0xa4: {  	v3 =	vand.u32 $0x7, v3;
	v4 =	vand.u32 $0xFFFFFFE0, v28  }
0xa5: {  	v3 =	vor.u32 v3, v4  }
0xa6: {  	v4 =	vperm.xlane v3, v0;
	_ =	sdelay $0x1  }
0xa7: {  	v4 =	vadd.s32 v1, v4;
	_ =	sdelay $0x1  }
0xa8: {  	v3 =	vperm.xlane v3, v2;
	_ =	sdelay $0x1  }
0xa9: {  	s26 =	simm.s32 $0x12100;
	v3 =	vadd.s32 v1, v3  }
0xaa: {  	[tilespmem:s26], [sflag:$0x1] =	stream.indirect_vreg.gather [hbm4b:s3+s2], $0x80, v4, vm0, $0xb8;
	[tilespmem:$0x1E100] =	vst v63  }
0xab: {  	s26 =	simm.s32 $0x12900  }
0xac: {  	[tilespmem:s26], [sflag:$0x1] =	stream.indirect_vreg.gather [hbm4b:s5+s2], $0x80, v4, vm0, $0xb8;
	[tilespmem:$0x1E100] =	vst v63  }
0xad: {  	s26 =	simm.s32 $0x13100  }
0xae: {  	[tilespmem:s26], [sflag:$0x1] =	stream.indirect_vreg.gather [hbm4b:s3+s2], $0x80, v3, vm0, $0xb8;
	[tilespmem:$0x1E100] =	vst v63  }
0xaf: {  	s26 =	simm.s32 $0x13900  }
0xb0: {  	[tilespmem:s26], [sflag:$0x1] =	stream.indirect_vreg.gather [hbm4b:s5+s2], $0x80, v3, vm0, $0xb8;
	[tilespmem:$0x1E100] =	vst v63  }
0xb1: {  	v3 =	vld [tilespmem:$0xA0];
	_ =	sdelay $0x4  }
0xb2: {  	v29 =	vshll.u32 v3, $0x2  }
0xb3: {  	v3 =	vand.u32 $0x7, v3;
	v4 =	vand.u32 $0xFFFFFFE0, v29  }
0xb4: {  	v3 =	vor.u32 v3, v4  }
0xb5: {  	v4 =	vperm.xlane v3, v0;
	_ =	sdelay $0x1  }
0xb6: {  	v4 =	vadd.s32 v1, v4;
	_ =	sdelay $0x1  }
0xb7: {  	v3 =	vperm.xlane v3, v2;
	_ =	sdelay $0x1  }
0xb8: {  	s26 =	simm.s32 $0x14100;
	v3 =	vadd.s32 v1, v3  }
0xb9: {  	[tilespmem:s26], [sflag:$0x1] =	stream.indirect_vreg.gather [hbm4b:s3+s2], $0x80, v4, vm0, $0xb8;
	[tilespmem:$0x1E100] =	vst v63  }
0xba: {  	s26 =	simm.s32 $0x14900  }
0xbb: {  	[tilespmem:s26], [sflag:$0x1] =	stream.indirect_vreg.gather [hbm4b:s5+s2], $0x80, v4, vm0, $0xb8;
	[tilespmem:$0x1E100] =	vst v63  }
0xbc: {  	s26 =	simm.s32 $0x15100  }
0xbd: {  	[tilespmem:s26], [sflag:$0x1] =	stream.indirect_vreg.gather [hbm4b:s3+s2], $0x80, v3, vm0, $0xb8;
	[tilespmem:$0x1E100] =	vst v63  }
0xbe: {  	s26 =	simm.s32 $0x15900  }
0xbf: {  	[tilespmem:s26], [sflag:$0x1] =	stream.indirect_vreg.gather [hbm4b:s5+s2], $0x80, v3, vm0, $0xb8;
	[tilespmem:$0x1E100] =	vst v63  }
0xc0: {  	v3 =	vld [tilespmem:$0xB0];
	_ =	sdelay $0x4  }
0xc1: {  	v30 =	vshll.u32 v3, $0x2  }
0xc2: {  	v3 =	vand.u32 $0x7, v3;
	v4 =	vand.u32 $0xFFFFFFE0, v30  }
0xc3: {  	v3 =	vor.u32 v3, v4  }
0xc4: {  	v4 =	vperm.xlane v3, v0;
	_ =	sdelay $0x1  }
0xc5: {  	v4 =	vadd.s32 v1, v4;
	_ =	sdelay $0x1  }
0xc6: {  	v3 =	vperm.xlane v3, v2;
	_ =	sdelay $0x1  }
0xc7: {  	s26 =	simm.s32 $0x16100;
	v3 =	vadd.s32 v1, v3  }
0xc8: {  	[tilespmem:s26], [sflag:$0x1] =	stream.indirect_vreg.gather [hbm4b:s3+s2], $0x80, v4, vm0, $0xb8;
	[tilespmem:$0x1E100] =	vst v63  }
0xc9: {  	s26 =	simm.s32 $0x16900  }
0xca: {  	[tilespmem:s26], [sflag:$0x1] =	stream.indirect_vreg.gather [hbm4b:s5+s2], $0x80, v4, vm0, $0xb8;
	[tilespmem:$0x1E100] =	vst v63  }
0xcb: {  	s26 =	simm.s32 $0x17100  }
0xcc: {  	[tilespmem:s26], [sflag:$0x1] =	stream.indirect_vreg.gather [hbm4b:s3+s2], $0x80, v3, vm0, $0xb8;
	[tilespmem:$0x1E100] =	vst v63  }
0xcd: {  	s26 =	simm.s32 $0x17900  }
0xce: {  	[tilespmem:s26], [sflag:$0x1] =	stream.indirect_vreg.gather [hbm4b:s5+s2], $0x80, v3, vm0, $0xb8;
	[tilespmem:$0x1E100] =	vst v63  }
0xcf: {  	v3 =	vld [tilespmem:$0xC0];
	_ =	sdelay $0x4  }
0xd0: {  	v31 =	vshll.u32 v3, $0x2  }
0xd1: {  	v3 =	vand.u32 $0x7, v3;
	v4 =	vand.u32 $0xFFFFFFE0, v31  }
0xd2: {  	v3 =	vor.u32 v3, v4  }
0xd3: {  	v4 =	vperm.xlane v3, v0;
	_ =	sdelay $0x1  }
0xd4: {  	v4 =	vadd.s32 v1, v4;
	_ =	sdelay $0x1  }
0xd5: {  	v3 =	vperm.xlane v3, v2;
	_ =	sdelay $0x1  }
0xd6: {  	s26 =	simm.s32 $0x18100;
	v3 =	vadd.s32 v1, v3  }
0xd7: {  	[tilespmem:s26], [sflag:$0x1] =	stream.indirect_vreg.gather [hbm4b:s3+s2], $0x80, v4, vm0, $0xb8;
	[tilespmem:$0x1E100] =	vst v63  }
0xd8: {  	s26 =	simm.s32 $0x18900  }
0xd9: {  	[tilespmem:s26], [sflag:$0x1] =	stream.indirect_vreg.gather [hbm4b:s5+s2], $0x80, v4, vm0, $0xb8;
	[tilespmem:$0x1E100] =	vst v63  }
0xda: {  	s26 =	simm.s32 $0x19100  }
0xdb: {  	[tilespmem:s26], [sflag:$0x1] =	stream.indirect_vreg.gather [hbm4b:s3+s2], $0x80, v3, vm0, $0xb8;
	[tilespmem:$0x1E100] =	vst v63  }
0xdc: {  	s26 =	simm.s32 $0x19900  }
0xdd: {  	[tilespmem:s26], [sflag:$0x1] =	stream.indirect_vreg.gather [hbm4b:s5+s2], $0x80, v3, vm0, $0xb8;
	[tilespmem:$0x1E100] =	vst v63  }
0xde: {  	v3 =	vld [tilespmem:$0xD0];
	_ =	sdelay $0x4  }
0xdf: {  	v32 =	vshll.u32 v3, $0x2  }
0xe0: {  	v3 =	vand.u32 $0x7, v3;
	v4 =	vand.u32 $0xFFFFFFE0, v32  }
0xe1: {  	v3 =	vor.u32 v3, v4  }
0xe2: {  	v4 =	vperm.xlane v3, v0;
	_ =	sdelay $0x1  }
0xe3: {  	v4 =	vadd.s32 v1, v4;
	_ =	sdelay $0x1  }
0xe4: {  	v3 =	vperm.xlane v3, v2;
	_ =	sdelay $0x1  }
0xe5: {  	s26 =	simm.s32 $0x1A100;
	v3 =	vadd.s32 v1, v3  }
0xe6: {  	[tilespmem:s26], [sflag:$0x1] =	stream.indirect_vreg.gather [hbm4b:s3+s2], $0x80, v4, vm0, $0xb8;
	[tilespmem:$0x1E100] =	vst v63  }
0xe7: {  	s26 =	simm.s32 $0x1A900  }
0xe8: {  	[tilespmem:s26], [sflag:$0x1] =	stream.indirect_vreg.gather [hbm4b:s5+s2], $0x80, v4, vm0, $0xb8;
	[tilespmem:$0x1E100] =	vst v63  }
0xe9: {  	s26 =	simm.s32 $0x1B100  }
0xea: {  	[tilespmem:s26], [sflag:$0x1] =	stream.indirect_vreg.gather [hbm4b:s3+s2], $0x80, v3, vm0, $0xb8;
	[tilespmem:$0x1E100] =	vst v63  }
0xeb: {  	s26 =	simm.s32 $0x1B900  }
0xec: {  	[tilespmem:s26], [sflag:$0x1] =	stream.indirect_vreg.gather [hbm4b:s5+s2], $0x80, v3, vm0, $0xb8;
	[tilespmem:$0x1E100] =	vst v63  }
0xed: {  	v3 =	vld [tilespmem:$0xE0];
	_ =	sdelay $0x4  }
0xee: {  	v33 =	vshll.u32 v3, $0x2  }
0xef: {  	v3 =	vand.u32 $0x7, v3;
	v4 =	vand.u32 $0xFFFFFFE0, v33  }
0xf0: {  	v3 =	vor.u32 v3, v4  }
0xf1: {  	v4 =	vperm.xlane v3, v0;
	_ =	sdelay $0x1  }
0xf2: {  	v4 =	vadd.s32 v1, v4;
	_ =	sdelay $0x1  }
0xf3: {  	v3 =	vperm.xlane v3, v2;
	_ =	sdelay $0x1  }
0xf4: {  	s26 =	simm.s32 $0x1C100;
	v3 =	vadd.s32 v1, v3  }
0xf5: {  	[tilespmem:s26], [sflag:$0x1] =	stream.indirect_vreg.gather [hbm4b:s3+s2], $0x80, v4, vm0, $0xb8;
	[tilespmem:$0x1E100] =	vst v63  }
0xf6: {  	s26 =	simm.s32 $0x1C900  }
0xf7: {  	[tilespmem:s26], [sflag:$0x1] =	stream.indirect_vreg.gather [hbm4b:s5+s2], $0x80, v4, vm0, $0xb8;
	[tilespmem:$0x1E100] =	vst v63  }
0xf8: {  	s26 =	simm.s32 $0x1D100  }
0xf9: {  	[tilespmem:s26], [sflag:$0x1] =	stream.indirect_vreg.gather [hbm4b:s3+s2], $0x80, v3, vm0, $0xb8;
	[tilespmem:$0x1E100] =	vst v63  }
0xfa: {  	s26 =	simm.s32 $0x1D900  }
0xfb: {  	[tilespmem:s26], [sflag:$0x1] =	stream.indirect_vreg.gather [hbm4b:s5+s2], $0x80, v3, vm0, $0xb8;
	[tilespmem:$0x1E100] =	vst v63  }
0xfc: {  	_ =	swait.ge [sflag:s25], $0x1E000  }
0xfd: {  	[sflag:s25] =	ssyncset.done $0x0  }
0xfe: {  	s26 =	rddreg [dreg:$0x4];
	[sflag:s25] =	ssyncadd.s32 $0xFFFE2000  }
0xff: {  	[hbm4b:s26+s2] =	stream.linear.scatter [tilespmem:s0], [sflag:$0x2], $0x1E000, $0x38;
	[tilespmem:$0x1E100] =	vst v63  }
0x100: {  	_ =	swait.ge [sflag:s14], $0x1E000  }
0x101: {  	[sflag:s14] =	ssyncset.done $0x0  }
0x102: {  	s26 =	rddreg [dreg:$0x5];
	[sflag:s14] =	ssyncadd.s32 $0xFFFE2000  }
0x103: {  	[tilespmem:s2], [sflag:$0x2] =	stream.linear.gather [hbm4b:s26+s2], $0xF0, $0x38;
	[tilespmem:$0x1E100] =	vst v63  }
0x104: {  	_ =	swait.ge [sflag:s14], $0xF0  }
0x105: {  	[sflag:s14] =	ssyncset.done $0x0  }
0x106: {  	[sflag:s14] =	ssyncadd.s32 $0xFFFFFF10  }
0x107: {  	v3 =	vld [tilespmem:$0x0];
	_ =	sdelay $0x4  }
0x108: {  	v34 =	vshll.u32 v3, $0x2  }
0x109: {  	v3 =	vand.u32 $0x7, v3;
	v4 =	vand.u32 $0xFFFFFFE0, v34  }
0x10a: {  	v3 =	vor.u32 v3, v4  }
0x10b: {  	v4 =	vperm.xlane v3, v0;
	_ =	sdelay $0x1  }
0x10c: {  	v4 =	vadd.s32 v1, v4;
	_ =	sdelay $0x1  }
0x10d: {  	v3 =	vperm.xlane v3, v2;
	_ =	sdelay $0x1  }
0x10e: {  	v3 =	vadd.s32 v1, v3  }
0x10f: {  	[tilespmem:s0], [sflag:$0x1] =	stream.indirect_vreg.gather [hbm4b:s3+s2], $0x80, v4, vm0, $0xb8;
	[tilespmem:$0x1E100] =	vst v63  }
0x110: {  	_ = 	snop  }
0x111: {  	[tilespmem:s28], [sflag:$0x1] =	stream.indirect_vreg.gather [hbm4b:s5+s2], $0x80, v4, vm0, $0xb8;
	[tilespmem:$0x1E100] =	vst v63  }
0x112: {  	_ = 	snop  }
0x113: {  	[tilespmem:s30], [sflag:$0x1] =	stream.indirect_vreg.gather [hbm4b:s3+s2], $0x80, v3, vm0, $0xb8;
	[tilespmem:$0x1E100] =	vst v63  }
0x114: {  	_ = 	snop  }
0x115: {  	[tilespmem:s31], [sflag:$0x1] =	stream.indirect_vreg.gather [hbm4b:s5+s2], $0x80, v3, vm0, $0xb8;
	[tilespmem:$0x1E100] =	vst v63  }
0x116: {  	v3 =	vld [tilespmem:$0x10];
	_ =	sdelay $0x4  }
0x117: {  	v35 =	vshll.u32 v3, $0x2  }
0x118: {  	v3 =	vand.u32 $0x7, v3;
	v4 =	vand.u32 $0xFFFFFFE0, v35  }
0x119: {  	v3 =	vor.u32 v3, v4  }
0x11a: {  	v4 =	vperm.xlane v3, v0;
	_ =	sdelay $0x1  }
0x11b: {  	v4 =	vadd.s32 v1, v4;
	_ =	sdelay $0x1  }
0x11c: {  	v3 =	vperm.xlane v3, v2;
	_ =	sdelay $0x1  }
0x11d: {  	v3 =	vadd.s32 v1, v3  }
0x11e: {  	[tilespmem:s1], [sflag:$0x1] =	stream.indirect_vreg.gather [hbm4b:s3+s2], $0x80, v4, vm0, $0xb8;
	[tilespmem:$0x1E100] =	vst v63  }
0x11f: {  	s26 =	simm.s32 $0x2900  }
0x120: {  	[tilespmem:s26], [sflag:$0x1] =	stream.indirect_vreg.gather [hbm4b:s5+s2], $0x80, v4, vm0, $0xb8;
	[tilespmem:$0x1E100] =	vst v63  }
0x121: {  	_ = 	snop  }
0x122: {  	[tilespmem:s11], [sflag:$0x1] =	stream.indirect_vreg.gather [hbm4b:s3+s2], $0x80, v3, vm0, $0xb8;
	[tilespmem:$0x1E100] =	vst v63  }
0x123: {  	_ = 	snop  }
0x124: {  	[tilespmem:s12], [sflag:$0x1] =	stream.indirect_vreg.gather [hbm4b:s5+s2], $0x80, v3, vm0, $0xb8;
	[tilespmem:$0x1E100] =	vst v63  }
0x125: {  	v3 =	vld [tilespmem:$0x20];
	_ =	sdelay $0x4  }
0x126: {  	v36 =	vshll.u32 v3, $0x2  }
0x127: {  	v3 =	vand.u32 $0x7, v3;
	v4 =	vand.u32 $0xFFFFFFE0, v36  }
0x128: {  	v3 =	vor.u32 v3, v4  }
0x129: {  	v4 =	vperm.xlane v3, v0;
	_ =	sdelay $0x1  }
0x12a: {  	v4 =	vadd.s32 v1, v4;
	_ =	sdelay $0x1  }
0x12b: {  	v3 =	vperm.xlane v3, v2;
	_ =	sdelay $0x1  }
0x12c: {  	v3 =	vadd.s32 v1, v3  }
0x12d: {  	[tilespmem:s4], [sflag:$0x1] =	stream.indirect_vreg.gather [hbm4b:s3+s2], $0x80, v4, vm0, $0xb8;
	[tilespmem:$0x1E100] =	vst v63  }
0x12e: {  	_ = 	snop  }
0x12f: {  	[tilespmem:s6], [sflag:$0x1] =	stream.indirect_vreg.gather [hbm4b:s5+s2], $0x80, v4, vm0, $0xb8;
	[tilespmem:$0x1E100] =	vst v63  }
0x130: {  	_ = 	snop  }
0x131: {  	[tilespmem:s7], [sflag:$0x1] =	stream.indirect_vreg.gather [hbm4b:s3+s2], $0x80, v3, vm0, $0xb8;
	[tilespmem:$0x1E100] =	vst v63  }
0x132: {  	_ = 	snop  }
0x133: {  	[tilespmem:s8], [sflag:$0x1] =	stream.indirect_vreg.gather [hbm4b:s5+s2], $0x80, v3, vm0, $0xb8;
	[tilespmem:$0x1E100] =	vst v63  }
0x134: {  	v3 =	vld [tilespmem:$0x30];
	_ =	sdelay $0x4  }
0x135: {  	v37 =	vshll.u32 v3, $0x2  }
0x136: {  	v3 =	vand.u32 $0x7, v3;
	v4 =	vand.u32 $0xFFFFFFE0, v37  }
0x137: {  	v3 =	vor.u32 v3, v4  }
0x138: {  	v4 =	vperm.xlane v3, v0;
	_ =	sdelay $0x1  }
0x139: {  	v4 =	vadd.s32 v1, v4;
	_ =	sdelay $0x1  }
0x13a: {  	v3 =	vperm.xlane v3, v2;
	_ =	sdelay $0x1  }
0x13b: {  	v3 =	vadd.s32 v1, v3  }
0x13c: {  	[tilespmem:s9], [sflag:$0x1] =	stream.indirect_vreg.gather [hbm4b:s3+s2], $0x80, v4, vm0, $0xb8;
	[tilespmem:$0x1E100] =	vst v63  }
0x13d: {  	_ = 	snop  }
0x13e: {  	[tilespmem:s10], [sflag:$0x1] =	stream.indirect_vreg.gather [hbm4b:s5+s2], $0x80, v4, vm0, $0xb8;
	[tilespmem:$0x1E100] =	vst v63  }
0x13f: {  	_ = 	snop  }
0x140: {  	[tilespmem:s16], [sflag:$0x1] =	stream.indirect_vreg.gather [hbm4b:s3+s2], $0x80, v3, vm0, $0xb8;
	[tilespmem:$0x1E100] =	vst v63  }
0x141: {  	_ = 	snop  }
0x142: {  	[tilespmem:s17], [sflag:$0x1] =	stream.indirect_vreg.gather [hbm4b:s5+s2], $0x80, v3, vm0, $0xb8;
	[tilespmem:$0x1E100] =	vst v63  }
0x143: {  	v3 =	vld [tilespmem:$0x40];
	_ =	sdelay $0x4  }
0x144: {  	v38 =	vshll.u32 v3, $0x2  }
0x145: {  	v3 =	vand.u32 $0x7, v3;
	v4 =	vand.u32 $0xFFFFFFE0, v38  }
0x146: {  	v3 =	vor.u32 v3, v4  }
0x147: {  	v4 =	vperm.xlane v3, v0;
	_ =	sdelay $0x1  }
0x148: {  	v4 =	vadd.s32 v1, v4;
	_ =	sdelay $0x1  }
0x149: {  	v3 =	vperm.xlane v3, v2;
	_ =	sdelay $0x1  }
0x14a: {  	v3 =	vadd.s32 v1, v3  }
0x14b: {  	[tilespmem:s18], [sflag:$0x1] =	stream.indirect_vreg.gather [hbm4b:s3+s2], $0x80, v4, vm0, $0xb8;
	[tilespmem:$0x1E100] =	vst v63  }
0x14c: {  	_ = 	snop  }
0x14d: {  	[tilespmem:s19], [sflag:$0x1] =	stream.indirect_vreg.gather [hbm4b:s5+s2], $0x80, v4, vm0, $0xb8;
	[tilespmem:$0x1E100] =	vst v63  }
0x14e: {  	_ = 	snop  }
0x14f: {  	[tilespmem:s20], [sflag:$0x1] =	stream.indirect_vreg.gather [hbm4b:s3+s2], $0x80, v3, vm0, $0xb8;
	[tilespmem:$0x1E100] =	vst v63  }
0x150: {  	_ = 	snop  }
0x151: {  	[tilespmem:s21], [sflag:$0x1] =	stream.indirect_vreg.gather [hbm4b:s5+s2], $0x80, v3, vm0, $0xb8;
	[tilespmem:$0x1E100] =	vst v63  }
0x152: {  	v3 =	vld [tilespmem:$0x50];
	_ =	sdelay $0x4  }
0x153: {  	v39 =	vshll.u32 v3, $0x2  }
0x154: {  	v3 =	vand.u32 $0x7, v3;
	v4 =	vand.u32 $0xFFFFFFE0, v39  }
0x155: {  	v3 =	vor.u32 v3, v4  }
0x156: {  	v4 =	vperm.xlane v3, v0;
	_ =	sdelay $0x1  }
0x157: {  	v4 =	vadd.s32 v1, v4;
	_ =	sdelay $0x1  }
0x158: {  	v3 =	vperm.xlane v3, v2;
	_ =	sdelay $0x1  }
0x159: {  	v3 =	vadd.s32 v1, v3  }
0x15a: {  	[tilespmem:s22], [sflag:$0x1] =	stream.indirect_vreg.gather [hbm4b:s3+s2], $0x80, v4, vm0, $0xb8;
	[tilespmem:$0x1E100] =	vst v63  }
0x15b: {  	_ = 	snop  }
0x15c: {  	[tilespmem:s23], [sflag:$0x1] =	stream.indirect_vreg.gather [hbm4b:s5+s2], $0x80, v4, vm0, $0xb8;
	[tilespmem:$0x1E100] =	vst v63  }
0x15d: {  	_ = 	snop  }
0x15e: {  	[tilespmem:s24], [sflag:$0x1] =	stream.indirect_vreg.gather [hbm4b:s3+s2], $0x80, v3, vm0, $0xb8;
	[tilespmem:$0x1E100] =	vst v63  }
0x15f: {  	_ = 	snop  }
0x160: {  	[tilespmem:s29], [sflag:$0x1] =	stream.indirect_vreg.gather [hbm4b:s5+s2], $0x80, v3, vm0, $0xb8;
	[tilespmem:$0x1E100] =	vst v63  }
0x161: {  	v3 =	vld [tilespmem:$0x60];
	_ =	sdelay $0x4  }
0x162: {  	v40 =	vshll.u32 v3, $0x2  }
0x163: {  	v3 =	vand.u32 $0x7, v3;
	v4 =	vand.u32 $0xFFFFFFE0, v40  }
0x164: {  	v3 =	vor.u32 v3, v4  }
0x165: {  	v4 =	vperm.xlane v3, v0;
	_ =	sdelay $0x1  }
0x166: {  	v4 =	vadd.s32 v1, v4;
	_ =	sdelay $0x1  }
0x167: {  	v3 =	vperm.xlane v3, v2;
	_ =	sdelay $0x1  }
0x168: {  	v3 =	vadd.s32 v1, v3  }
0x169: {  	[tilespmem:s15], [sflag:$0x1] =	stream.indirect_vreg.gather [hbm4b:s3+s2], $0x80, v4, vm0, $0xb8;
	[tilespmem:$0x1E100] =	vst v63  }
0x16a: {  	s26 =	simm.s32 $0xC900  }
0x16b: {  	[tilespmem:s26], [sflag:$0x1] =	stream.indirect_vreg.gather [hbm4b:s5+s2], $0x80, v4, vm0, $0xb8;
	[tilespmem:$0x1E100] =	vst v63  }
0x16c: {  	s26 =	simm.s32 $0xD100  }
0x16d: {  	[tilespmem:s26], [sflag:$0x1] =	stream.indirect_vreg.gather [hbm4b:s3+s2], $0x80, v3, vm0, $0xb8;
	[tilespmem:$0x1E100] =	vst v63  }
0x16e: {  	s26 =	simm.s32 $0xD900  }
0x16f: {  	[tilespmem:s26], [sflag:$0x1] =	stream.indirect_vreg.gather [hbm4b:s5+s2], $0x80, v3, vm0, $0xb8;
	[tilespmem:$0x1E100] =	vst v63  }
0x170: {  	v3 =	vld [tilespmem:$0x70];
	_ =	sdelay $0x4  }
0x171: {  	v41 =	vshll.u32 v3, $0x2  }
0x172: {  	v3 =	vand.u32 $0x7, v3;
	v4 =	vand.u32 $0xFFFFFFE0, v41  }
0x173: {  	v3 =	vor.u32 v3, v4  }
0x174: {  	v4 =	vperm.xlane v3, v0;
	_ =	sdelay $0x1  }
0x175: {  	v4 =	vadd.s32 v1, v4;
	_ =	sdelay $0x1  }
0x176: {  	v3 =	vperm.xlane v3, v2;
	_ =	sdelay $0x1  }
0x177: {  	s26 =	simm.s32 $0xE100;
	v3 =	vadd.s32 v1, v3  }
0x178: {  	[tilespmem:s26], [sflag:$0x1] =	stream.indirect_vreg.gather [hbm4b:s3+s2], $0x80, v4, vm0, $0xb8;
	[tilespmem:$0x1E100] =	vst v63  }
0x179: {  	s26 =	simm.s32 $0xE900  }
0x17a: {  	[tilespmem:s26], [sflag:$0x1] =	stream.indirect_vreg.gather [hbm4b:s5+s2], $0x80, v4, vm0, $0xb8;
	[tilespmem:$0x1E100] =	vst v63  }
0x17b: {  	s26 =	simm.s32 $0xF100  }
0x17c: {  	[tilespmem:s26], [sflag:$0x1] =	stream.indirect_vreg.gather [hbm4b:s3+s2], $0x80, v3, vm0, $0xb8;
	[tilespmem:$0x1E100] =	vst v63  }
0x17d: {  	s26 =	simm.s32 $0xF900  }
0x17e: {  	[tilespmem:s26], [sflag:$0x1] =	stream.indirect_vreg.gather [hbm4b:s5+s2], $0x80, v3, vm0, $0xb8;
	[tilespmem:$0x1E100] =	vst v63  }
0x17f: {  	v3 =	vld [tilespmem:$0x80];
	_ =	sdelay $0x4  }
0x180: {  	v42 =	vshll.u32 v3, $0x2  }
0x181: {  	v3 =	vand.u32 $0x7, v3;
	v4 =	vand.u32 $0xFFFFFFE0, v42  }
0x182: {  	v3 =	vor.u32 v3, v4  }
0x183: {  	v4 =	vperm.xlane v3, v0;
	_ =	sdelay $0x1  }
0x184: {  	v4 =	vadd.s32 v1, v4;
	_ =	sdelay $0x1  }
0x185: {  	v3 =	vperm.xlane v3, v2;
	_ =	sdelay $0x1  }
0x186: {  	s26 =	simm.s32 $0x10100;
	v3 =	vadd.s32 v1, v3  }
0x187: {  	[tilespmem:s26], [sflag:$0x1] =	stream.indirect_vreg.gather [hbm4b:s3+s2], $0x80, v4, vm0, $0xb8;
	[tilespmem:$0x1E100] =	vst v63  }
0x188: {  	s26 =	simm.s32 $0x10900  }
0x189: {  	[tilespmem:s26], [sflag:$0x1] =	stream.indirect_vreg.gather [hbm4b:s5+s2], $0x80, v4, vm0, $0xb8;
	[tilespmem:$0x1E100] =	vst v63  }
0x18a: {  	s26 =	simm.s32 $0x11100  }
0x18b: {  	[tilespmem:s26], [sflag:$0x1] =	stream.indirect_vreg.gather [hbm4b:s3+s2], $0x80, v3, vm0, $0xb8;
	[tilespmem:$0x1E100] =	vst v63  }
0x18c: {  	s26 =	simm.s32 $0x11900  }
0x18d: {  	[tilespmem:s26], [sflag:$0x1] =	stream.indirect_vreg.gather [hbm4b:s5+s2], $0x80, v3, vm0, $0xb8;
	[tilespmem:$0x1E100] =	vst v63  }
0x18e: {  	v3 =	vld [tilespmem:$0x90];
	_ =	sdelay $0x4  }
0x18f: {  	v43 =	vshll.u32 v3, $0x2  }
0x190: {  	v3 =	vand.u32 $0x7, v3;
	v4 =	vand.u32 $0xFFFFFFE0, v43  }
0x191: {  	v3 =	vor.u32 v3, v4  }
0x192: {  	v4 =	vperm.xlane v3, v0;
	_ =	sdelay $0x1  }
0x193: {  	v4 =	vadd.s32 v1, v4;
	_ =	sdelay $0x1  }
0x194: {  	v3 =	vperm.xlane v3, v2;
	_ =	sdelay $0x1  }
0x195: {  	s26 =	simm.s32 $0x12100;
	v3 =	vadd.s32 v1, v3  }
0x196: {  	[tilespmem:s26], [sflag:$0x1] =	stream.indirect_vreg.gather [hbm4b:s3+s2], $0x80, v4, vm0, $0xb8;
	[tilespmem:$0x1E100] =	vst v63  }
0x197: {  	s26 =	simm.s32 $0x12900  }
0x198: {  	[tilespmem:s26], [sflag:$0x1] =	stream.indirect_vreg.gather [hbm4b:s5+s2], $0x80, v4, vm0, $0xb8;
	[tilespmem:$0x1E100] =	vst v63  }
0x199: {  	s26 =	simm.s32 $0x13100  }
0x19a: {  	[tilespmem:s26], [sflag:$0x1] =	stream.indirect_vreg.gather [hbm4b:s3+s2], $0x80, v3, vm0, $0xb8;
	[tilespmem:$0x1E100] =	vst v63  }
0x19b: {  	s26 =	simm.s32 $0x13900  }
0x19c: {  	[tilespmem:s26], [sflag:$0x1] =	stream.indirect_vreg.gather [hbm4b:s5+s2], $0x80, v3, vm0, $0xb8;
	[tilespmem:$0x1E100] =	vst v63  }
0x19d: {  	v3 =	vld [tilespmem:$0xA0];
	_ =	sdelay $0x4  }
0x19e: {  	v44 =	vshll.u32 v3, $0x2  }
0x19f: {  	v3 =	vand.u32 $0x7, v3;
	v4 =	vand.u32 $0xFFFFFFE0, v44  }
0x1a0: {  	v3 =	vor.u32 v3, v4  }
0x1a1: {  	v4 =	vperm.xlane v3, v0;
	_ =	sdelay $0x1  }
0x1a2: {  	v4 =	vadd.s32 v1, v4;
	_ =	sdelay $0x1  }
0x1a3: {  	v3 =	vperm.xlane v3, v2;
	_ =	sdelay $0x1  }
0x1a4: {  	s26 =	simm.s32 $0x14100;
	v3 =	vadd.s32 v1, v3  }
0x1a5: {  	[tilespmem:s26], [sflag:$0x1] =	stream.indirect_vreg.gather [hbm4b:s3+s2], $0x80, v4, vm0, $0xb8;
	[tilespmem:$0x1E100] =	vst v63  }
0x1a6: {  	s26 =	simm.s32 $0x14900  }
0x1a7: {  	[tilespmem:s26], [sflag:$0x1] =	stream.indirect_vreg.gather [hbm4b:s5+s2], $0x80, v4, vm0, $0xb8;
	[tilespmem:$0x1E100] =	vst v63  }
0x1a8: {  	s26 =	simm.s32 $0x15100  }
0x1a9: {  	[tilespmem:s26], [sflag:$0x1] =	stream.indirect_vreg.gather [hbm4b:s3+s2], $0x80, v3, vm0, $0xb8;
	[tilespmem:$0x1E100] =	vst v63  }
0x1aa: {  	s26 =	simm.s32 $0x15900  }
0x1ab: {  	[tilespmem:s26], [sflag:$0x1] =	stream.indirect_vreg.gather [hbm4b:s5+s2], $0x80, v3, vm0, $0xb8;
	[tilespmem:$0x1E100] =	vst v63  }
0x1ac: {  	v3 =	vld [tilespmem:$0xB0];
	_ =	sdelay $0x4  }
0x1ad: {  	v45 =	vshll.u32 v3, $0x2  }
0x1ae: {  	v3 =	vand.u32 $0x7, v3;
	v4 =	vand.u32 $0xFFFFFFE0, v45  }
0x1af: {  	v3 =	vor.u32 v3, v4  }
0x1b0: {  	v4 =	vperm.xlane v3, v0;
	_ =	sdelay $0x1  }
0x1b1: {  	v4 =	vadd.s32 v1, v4;
	_ =	sdelay $0x1  }
0x1b2: {  	v3 =	vperm.xlane v3, v2;
	_ =	sdelay $0x1  }
0x1b3: {  	s26 =	simm.s32 $0x16100;
	v3 =	vadd.s32 v1, v3  }
0x1b4: {  	[tilespmem:s26], [sflag:$0x1] =	stream.indirect_vreg.gather [hbm4b:s3+s2], $0x80, v4, vm0, $0xb8;
	[tilespmem:$0x1E100] =	vst v63  }
0x1b5: {  	s26 =	simm.s32 $0x16900  }
0x1b6: {  	[tilespmem:s26], [sflag:$0x1] =	stream.indirect_vreg.gather [hbm4b:s5+s2], $0x80, v4, vm0, $0xb8;
	[tilespmem:$0x1E100] =	vst v63  }
0x1b7: {  	s26 =	simm.s32 $0x17100  }
0x1b8: {  	[tilespmem:s26], [sflag:$0x1] =	stream.indirect_vreg.gather [hbm4b:s3+s2], $0x80, v3, vm0, $0xb8;
	[tilespmem:$0x1E100] =	vst v63  }
0x1b9: {  	s26 =	simm.s32 $0x17900  }
0x1ba: {  	[tilespmem:s26], [sflag:$0x1] =	stream.indirect_vreg.gather [hbm4b:s5+s2], $0x80, v3, vm0, $0xb8;
	[tilespmem:$0x1E100] =	vst v63  }
0x1bb: {  	v3 =	vld [tilespmem:$0xC0];
	_ =	sdelay $0x4  }
0x1bc: {  	v46 =	vshll.u32 v3, $0x2  }
0x1bd: {  	v3 =	vand.u32 $0x7, v3;
	v4 =	vand.u32 $0xFFFFFFE0, v46  }
0x1be: {  	v3 =	vor.u32 v3, v4  }
0x1bf: {  	v4 =	vperm.xlane v3, v0;
	_ =	sdelay $0x1  }
0x1c0: {  	v4 =	vadd.s32 v1, v4;
	_ =	sdelay $0x1  }
0x1c1: {  	v3 =	vperm.xlane v3, v2;
	_ =	sdelay $0x1  }
0x1c2: {  	s26 =	simm.s32 $0x18100;
	v3 =	vadd.s32 v1, v3  }
0x1c3: {  	[tilespmem:s26], [sflag:$0x1] =	stream.indirect_vreg.gather [hbm4b:s3+s2], $0x80, v4, vm0, $0xb8;
	[tilespmem:$0x1E100] =	vst v63  }
0x1c4: {  	s26 =	simm.s32 $0x18900  }
0x1c5: {  	[tilespmem:s26], [sflag:$0x1] =	stream.indirect_vreg.gather [hbm4b:s5+s2], $0x80, v4, vm0, $0xb8;
	[tilespmem:$0x1E100] =	vst v63  }
0x1c6: {  	s26 =	simm.s32 $0x19100  }
0x1c7: {  	[tilespmem:s26], [sflag:$0x1] =	stream.indirect_vreg.gather [hbm4b:s3+s2], $0x80, v3, vm0, $0xb8;
	[tilespmem:$0x1E100] =	vst v63  }
0x1c8: {  	s26 =	simm.s32 $0x19900  }
0x1c9: {  	[tilespmem:s26], [sflag:$0x1] =	stream.indirect_vreg.gather [hbm4b:s5+s2], $0x80, v3, vm0, $0xb8;
	[tilespmem:$0x1E100] =	vst v63  }
0x1ca: {  	v3 =	vld [tilespmem:$0xD0];
	_ =	sdelay $0x4  }
0x1cb: {  	v47 =	vshll.u32 v3, $0x2  }
0x1cc: {  	v3 =	vand.u32 $0x7, v3;
	v4 =	vand.u32 $0xFFFFFFE0, v47  }
0x1cd: {  	v3 =	vor.u32 v3, v4  }
0x1ce: {  	v4 =	vperm.xlane v3, v0;
	_ =	sdelay $0x1  }
0x1cf: {  	v4 =	vadd.s32 v1, v4;
	_ =	sdelay $0x1  }
0x1d0: {  	v3 =	vperm.xlane v3, v2;
	_ =	sdelay $0x1  }
0x1d1: {  	s26 =	simm.s32 $0x1A100;
	v3 =	vadd.s32 v1, v3  }
0x1d2: {  	[tilespmem:s26], [sflag:$0x1] =	stream.indirect_vreg.gather [hbm4b:s3+s2], $0x80, v4, vm0, $0xb8;
	[tilespmem:$0x1E100] =	vst v63  }
0x1d3: {  	s26 =	simm.s32 $0x1A900  }
0x1d4: {  	[tilespmem:s26], [sflag:$0x1] =	stream.indirect_vreg.gather [hbm4b:s5+s2], $0x80, v4, vm0, $0xb8;
	[tilespmem:$0x1E100] =	vst v63  }
0x1d5: {  	s26 =	simm.s32 $0x1B100  }
0x1d6: {  	[tilespmem:s26], [sflag:$0x1] =	stream.indirect_vreg.gather [hbm4b:s3+s2], $0x80, v3, vm0, $0xb8;
	[tilespmem:$0x1E100] =	vst v63  }
0x1d7: {  	s26 =	simm.s32 $0x1B900  }
0x1d8: {  	[tilespmem:s26], [sflag:$0x1] =	stream.indirect_vreg.gather [hbm4b:s5+s2], $0x80, v3, vm0, $0xb8;
	[tilespmem:$0x1E100] =	vst v63  }
0x1d9: {  	v3 =	vld [tilespmem:$0xE0];
	_ =	sdelay $0x4  }
0x1da: {  	v48 =	vshll.u32 v3, $0x2  }
0x1db: {  	v3 =	vand.u32 $0x7, v3;
	v4 =	vand.u32 $0xFFFFFFE0, v48  }
0x1dc: {  	v3 =	vor.u32 v3, v4  }
0x1dd: {  	v4 =	vperm.xlane v3, v0;
	_ =	sdelay $0x1  }
0x1de: {  	v4 =	vadd.s32 v1, v4;
	_ =	sdelay $0x1  }
0x1df: {  	v3 =	vperm.xlane v3, v2;
	_ =	sdelay $0x1  }
0x1e0: {  	s26 =	simm.s32 $0x1C100;
	v3 =	vadd.s32 v1, v3  }
0x1e1: {  	[tilespmem:s26], [sflag:$0x1] =	stream.indirect_vreg.gather [hbm4b:s3+s2], $0x80, v4, vm0, $0xb8;
	[tilespmem:$0x1E100] =	vst v63  }
0x1e2: {  	s26 =	simm.s32 $0x1C900  }
0x1e3: {  	[tilespmem:s26], [sflag:$0x1] =	stream.indirect_vreg.gather [hbm4b:s5+s2], $0x80, v4, vm0, $0xb8;
	[tilespmem:$0x1E100] =	vst v63  }
0x1e4: {  	s26 =	simm.s32 $0x1D100  }
0x1e5: {  	[tilespmem:s26], [sflag:$0x1] =	stream.indirect_vreg.gather [hbm4b:s3+s2], $0x80, v3, vm0, $0xb8;
	[tilespmem:$0x1E100] =	vst v63  }
0x1e6: {  	s26 =	simm.s32 $0x1D900  }
0x1e7: {  	[tilespmem:s26], [sflag:$0x1] =	stream.indirect_vreg.gather [hbm4b:s5+s2], $0x80, v3, vm0, $0xb8;
	[tilespmem:$0x1E100] =	vst v63  }
0x1e8: {  	_ =	swait.ge [sflag:s25], $0x1E000  }
0x1e9: {  	[sflag:s25] =	ssyncset.done $0x0  }
0x1ea: {  	s26 =	rddreg [dreg:$0x6];
	[sflag:s25] =	ssyncadd.s32 $0xFFFE2000  }
0x1eb: {  	[hbm4b:s26+s2] =	stream.linear.scatter [tilespmem:s0], [sflag:$0x2], $0x1E000, $0x38;
	[tilespmem:$0x1E100] =	vst v63  }
0x1ec: {  	_ =	swait.ge [sflag:s14], $0x1E000  }
0x1ed: {  	[sflag:s14] =	ssyncset.done $0x0  }
0x1ee: {  	s26 =	rddreg [dreg:$0x7];
	[sflag:s14] =	ssyncadd.s32 $0xFFFE2000  }
0x1ef: {  	[tilespmem:s2], [sflag:$0x2] =	stream.linear.gather [hbm4b:s26+s2], $0xF0, $0x38;
	[tilespmem:$0x1E100] =	vst v63  }
0x1f0: {  	_ =	swait.ge [sflag:s14], $0xF0  }
0x1f1: {  	[sflag:s14] =	ssyncset.done $0x0  }
0x1f2: {  	[sflag:s14] =	ssyncadd.s32 $0xFFFFFF10  }
0x1f3: {  	v3 =	vld [tilespmem:$0x0];
	_ =	sdelay $0x4  }
0x1f4: {  	v49 =	vshll.u32 v3, $0x2  }
0x1f5: {  	v3 =	vand.u32 $0x7, v3;
	v4 =	vand.u32 $0xFFFFFFE0, v49  }
0x1f6: {  	v3 =	vor.u32 v3, v4  }
0x1f7: {  	v4 =	vperm.xlane v3, v0;
	_ =	sdelay $0x1  }
0x1f8: {  	v4 =	vadd.s32 v1, v4;
	_ =	sdelay $0x1  }
0x1f9: {  	v3 =	vperm.xlane v3, v2;
	_ =	sdelay $0x1  }
0x1fa: {  	v3 =	vadd.s32 v1, v3  }
0x1fb: {  	[tilespmem:s0], [sflag:$0x1] =	stream.indirect_vreg.gather [hbm4b:s3+s2], $0x80, v4, vm0, $0xb8;
	[tilespmem:$0x1E100] =	vst v63  }
0x1fc: {  	_ = 	snop  }
0x1fd: {  	[tilespmem:s28], [sflag:$0x1] =	stream.indirect_vreg.gather [hbm4b:s5+s2], $0x80, v4, vm0, $0xb8;
	[tilespmem:$0x1E100] =	vst v63  }
0x1fe: {  	_ = 	snop  }
0x1ff: {  	[tilespmem:s30], [sflag:$0x1] =	stream.indirect_vreg.gather [hbm4b:s3+s2], $0x80, v3, vm0, $0xb8;
	[tilespmem:$0x1E100] =	vst v63  }
0x200: {  	_ = 	snop  }
0x201: {  	[tilespmem:s31], [sflag:$0x1] =	stream.indirect_vreg.gather [hbm4b:s5+s2], $0x80, v3, vm0, $0xb8;
	[tilespmem:$0x1E100] =	vst v63  }
0x202: {  	v3 =	vld [tilespmem:$0x10];
	_ =	sdelay $0x4  }
0x203: {  	v50 =	vshll.u32 v3, $0x2  }
0x204: {  	v3 =	vand.u32 $0x7, v3;
	v4 =	vand.u32 $0xFFFFFFE0, v50  }
0x205: {  	v3 =	vor.u32 v3, v4  }
0x206: {  	v4 =	vperm.xlane v3, v0;
	_ =	sdelay $0x1  }
0x207: {  	v4 =	vadd.s32 v1, v4;
	_ =	sdelay $0x1  }
0x208: {  	v3 =	vperm.xlane v3, v2;
	_ =	sdelay $0x1  }
0x209: {  	v3 =	vadd.s32 v1, v3  }
0x20a: {  	[tilespmem:s1], [sflag:$0x1] =	stream.indirect_vreg.gather [hbm4b:s3+s2], $0x80, v4, vm0, $0xb8;
	[tilespmem:$0x1E100] =	vst v63  }
0x20b: {  	s26 =	simm.s32 $0x2900  }
0x20c: {  	[tilespmem:s26], [sflag:$0x1] =	stream.indirect_vreg.gather [hbm4b:s5+s2], $0x80, v4, vm0, $0xb8;
	[tilespmem:$0x1E100] =	vst v63  }
0x20d: {  	_ = 	snop  }
0x20e: {  	[tilespmem:s11], [sflag:$0x1] =	stream.indirect_vreg.gather [hbm4b:s3+s2], $0x80, v3, vm0, $0xb8;
	[tilespmem:$0x1E100] =	vst v63  }
0x20f: {  	_ = 	snop  }
0x210: {  	[tilespmem:s12], [sflag:$0x1] =	stream.indirect_vreg.gather [hbm4b:s5+s2], $0x80, v3, vm0, $0xb8;
	[tilespmem:$0x1E100] =	vst v63  }
0x211: {  	v3 =	vld [tilespmem:$0x20];
	_ =	sdelay $0x4  }
0x212: {  	v51 =	vshll.u32 v3, $0x2  }
0x213: {  	v3 =	vand.u32 $0x7, v3;
	v4 =	vand.u32 $0xFFFFFFE0, v51  }
0x214: {  	v3 =	vor.u32 v3, v4  }
0x215: {  	v4 =	vperm.xlane v3, v0;
	_ =	sdelay $0x1  }
0x216: {  	v4 =	vadd.s32 v1, v4;
	_ =	sdelay $0x1  }
0x217: {  	v3 =	vperm.xlane v3, v2;
	_ =	sdelay $0x1  }
0x218: {  	v3 =	vadd.s32 v1, v3  }
0x219: {  	[tilespmem:s4], [sflag:$0x1] =	stream.indirect_vreg.gather [hbm4b:s3+s2], $0x80, v4, vm0, $0xb8;
	[tilespmem:$0x1E100] =	vst v63  }
0x21a: {  	_ = 	snop  }
0x21b: {  	[tilespmem:s6], [sflag:$0x1] =	stream.indirect_vreg.gather [hbm4b:s5+s2], $0x80, v4, vm0, $0xb8;
	[tilespmem:$0x1E100] =	vst v63  }
0x21c: {  	_ = 	snop  }
0x21d: {  	[tilespmem:s7], [sflag:$0x1] =	stream.indirect_vreg.gather [hbm4b:s3+s2], $0x80, v3, vm0, $0xb8;
	[tilespmem:$0x1E100] =	vst v63  }
0x21e: {  	_ = 	snop  }
0x21f: {  	[tilespmem:s8], [sflag:$0x1] =	stream.indirect_vreg.gather [hbm4b:s5+s2], $0x80, v3, vm0, $0xb8;
	[tilespmem:$0x1E100] =	vst v63  }
0x220: {  	v3 =	vld [tilespmem:$0x30];
	_ =	sdelay $0x4  }
0x221: {  	v52 =	vshll.u32 v3, $0x2  }
0x222: {  	v3 =	vand.u32 $0x7, v3;
	v4 =	vand.u32 $0xFFFFFFE0, v52  }
0x223: {  	v3 =	vor.u32 v3, v4  }
0x224: {  	v4 =	vperm.xlane v3, v0;
	_ =	sdelay $0x1  }
0x225: {  	v4 =	vadd.s32 v1, v4;
	_ =	sdelay $0x1  }
0x226: {  	v3 =	vperm.xlane v3, v2;
	_ =	sdelay $0x1  }
0x227: {  	v3 =	vadd.s32 v1, v3  }
0x228: {  	[tilespmem:s9], [sflag:$0x1] =	stream.indirect_vreg.gather [hbm4b:s3+s2], $0x80, v4, vm0, $0xb8;
	[tilespmem:$0x1E100] =	vst v63  }
0x229: {  	_ = 	snop  }
0x22a: {  	[tilespmem:s10], [sflag:$0x1] =	stream.indirect_vreg.gather [hbm4b:s5+s2], $0x80, v4, vm0, $0xb8;
	[tilespmem:$0x1E100] =	vst v63  }
0x22b: {  	_ = 	snop  }
0x22c: {  	[tilespmem:s16], [sflag:$0x1] =	stream.indirect_vreg.gather [hbm4b:s3+s2], $0x80, v3, vm0, $0xb8;
	[tilespmem:$0x1E100] =	vst v63  }
0x22d: {  	_ = 	snop  }
0x22e: {  	[tilespmem:s17], [sflag:$0x1] =	stream.indirect_vreg.gather [hbm4b:s5+s2], $0x80, v3, vm0, $0xb8;
	[tilespmem:$0x1E100] =	vst v63  }
0x22f: {  	v3 =	vld [tilespmem:$0x40];
	_ =	sdelay $0x4  }
0x230: {  	v53 =	vshll.u32 v3, $0x2  }
0x231: {  	v3 =	vand.u32 $0x7, v3;
	v4 =	vand.u32 $0xFFFFFFE0, v53  }
0x232: {  	v3 =	vor.u32 v3, v4  }
0x233: {  	v4 =	vperm.xlane v3, v0;
	_ =	sdelay $0x1  }
0x234: {  	v4 =	vadd.s32 v1, v4;
	_ =	sdelay $0x1  }
0x235: {  	v3 =	vperm.xlane v3, v2;
	_ =	sdelay $0x1  }
0x236: {  	v3 =	vadd.s32 v1, v3  }
0x237: {  	[tilespmem:s18], [sflag:$0x1] =	stream.indirect_vreg.gather [hbm4b:s3+s2], $0x80, v4, vm0, $0xb8;
	[tilespmem:$0x1E100] =	vst v63  }
0x238: {  	_ = 	snop  }
0x239: {  	[tilespmem:s19], [sflag:$0x1] =	stream.indirect_vreg.gather [hbm4b:s5+s2], $0x80, v4, vm0, $0xb8;
	[tilespmem:$0x1E100] =	vst v63  }
0x23a: {  	_ = 	snop  }
0x23b: {  	[tilespmem:s20], [sflag:$0x1] =	stream.indirect_vreg.gather [hbm4b:s3+s2], $0x80, v3, vm0, $0xb8;
	[tilespmem:$0x1E100] =	vst v63  }
0x23c: {  	_ = 	snop  }
0x23d: {  	[tilespmem:s21], [sflag:$0x1] =	stream.indirect_vreg.gather [hbm4b:s5+s2], $0x80, v3, vm0, $0xb8;
	[tilespmem:$0x1E100] =	vst v63  }
0x23e: {  	v3 =	vld [tilespmem:$0x50];
	_ =	sdelay $0x4  }
0x23f: {  	v54 =	vshll.u32 v3, $0x2  }
0x240: {  	v3 =	vand.u32 $0x7, v3;
	v4 =	vand.u32 $0xFFFFFFE0, v54  }
0x241: {  	v3 =	vor.u32 v3, v4  }
0x242: {  	v4 =	vperm.xlane v3, v0;
	_ =	sdelay $0x1  }
0x243: {  	v4 =	vadd.s32 v1, v4;
	_ =	sdelay $0x1  }
0x244: {  	v3 =	vperm.xlane v3, v2;
	_ =	sdelay $0x1  }
0x245: {  	v3 =	vadd.s32 v1, v3  }
0x246: {  	[tilespmem:s22], [sflag:$0x1] =	stream.indirect_vreg.gather [hbm4b:s3+s2], $0x80, v4, vm0, $0xb8;
	[tilespmem:$0x1E100] =	vst v63  }
0x247: {  	_ = 	snop  }
0x248: {  	[tilespmem:s23], [sflag:$0x1] =	stream.indirect_vreg.gather [hbm4b:s5+s2], $0x80, v4, vm0, $0xb8;
	[tilespmem:$0x1E100] =	vst v63  }
0x249: {  	_ = 	snop  }
0x24a: {  	[tilespmem:s24], [sflag:$0x1] =	stream.indirect_vreg.gather [hbm4b:s3+s2], $0x80, v3, vm0, $0xb8;
	[tilespmem:$0x1E100] =	vst v63  }
0x24b: {  	_ = 	snop  }
0x24c: {  	[tilespmem:s29], [sflag:$0x1] =	stream.indirect_vreg.gather [hbm4b:s5+s2], $0x80, v3, vm0, $0xb8;
	[tilespmem:$0x1E100] =	vst v63  }
0x24d: {  	v3 =	vld [tilespmem:$0x60];
	_ =	sdelay $0x4  }
0x24e: {  	v55 =	vshll.u32 v3, $0x2  }
0x24f: {  	v3 =	vand.u32 $0x7, v3;
	v4 =	vand.u32 $0xFFFFFFE0, v55  }
0x250: {  	v3 =	vor.u32 v3, v4  }
0x251: {  	v4 =	vperm.xlane v3, v0;
	_ =	sdelay $0x1  }
0x252: {  	v4 =	vadd.s32 v1, v4;
	_ =	sdelay $0x1  }
0x253: {  	v3 =	vperm.xlane v3, v2;
	_ =	sdelay $0x1  }
0x254: {  	v3 =	vadd.s32 v1, v3  }
0x255: {  	[tilespmem:s15], [sflag:$0x1] =	stream.indirect_vreg.gather [hbm4b:s3+s2], $0x80, v4, vm0, $0xb8;
	[tilespmem:$0x1E100] =	vst v63  }
0x256: {  	s26 =	simm.s32 $0xC900  }
0x257: {  	[tilespmem:s26], [sflag:$0x1] =	stream.indirect_vreg.gather [hbm4b:s5+s2], $0x80, v4, vm0, $0xb8;
	[tilespmem:$0x1E100] =	vst v63  }
0x258: {  	s26 =	simm.s32 $0xD100  }
0x259: {  	[tilespmem:s26], [sflag:$0x1] =	stream.indirect_vreg.gather [hbm4b:s3+s2], $0x80, v3, vm0, $0xb8;
	[tilespmem:$0x1E100] =	vst v63  }
0x25a: {  	s26 =	simm.s32 $0xD900  }
0x25b: {  	[tilespmem:s26], [sflag:$0x1] =	stream.indirect_vreg.gather [hbm4b:s5+s2], $0x80, v3, vm0, $0xb8;
	[tilespmem:$0x1E100] =	vst v63  }
0x25c: {  	v3 =	vld [tilespmem:$0x70];
	_ =	sdelay $0x4  }
0x25d: {  	v56 =	vshll.u32 v3, $0x2  }
0x25e: {  	v3 =	vand.u32 $0x7, v3;
	v4 =	vand.u32 $0xFFFFFFE0, v56  }
0x25f: {  	v3 =	vor.u32 v3, v4  }
0x260: {  	v4 =	vperm.xlane v3, v0;
	_ =	sdelay $0x1  }
0x261: {  	v4 =	vadd.s32 v1, v4;
	_ =	sdelay $0x1  }
0x262: {  	v3 =	vperm.xlane v3, v2;
	_ =	sdelay $0x1  }
0x263: {  	s26 =	simm.s32 $0xE100;
	v3 =	vadd.s32 v1, v3  }
0x264: {  	[tilespmem:s26], [sflag:$0x1] =	stream.indirect_vreg.gather [hbm4b:s3+s2], $0x80, v4, vm0, $0xb8;
	[tilespmem:$0x1E100] =	vst v63  }
0x265: {  	s26 =	simm.s32 $0xE900  }
0x266: {  	[tilespmem:s26], [sflag:$0x1] =	stream.indirect_vreg.gather [hbm4b:s5+s2], $0x80, v4, vm0, $0xb8;
	[tilespmem:$0x1E100] =	vst v63  }
0x267: {  	s26 =	simm.s32 $0xF100  }
0x268: {  	[tilespmem:s26], [sflag:$0x1] =	stream.indirect_vreg.gather [hbm4b:s3+s2], $0x80, v3, vm0, $0xb8;
	[tilespmem:$0x1E100] =	vst v63  }
0x269: {  	s26 =	simm.s32 $0xF900  }
0x26a: {  	[tilespmem:s26], [sflag:$0x1] =	stream.indirect_vreg.gather [hbm4b:s5+s2], $0x80, v3, vm0, $0xb8;
	[tilespmem:$0x1E100] =	vst v63  }
0x26b: {  	v3 =	vld [tilespmem:$0x80];
	_ =	sdelay $0x4  }
0x26c: {  	v57 =	vshll.u32 v3, $0x2  }
0x26d: {  	v3 =	vand.u32 $0x7, v3;
	v4 =	vand.u32 $0xFFFFFFE0, v57  }
0x26e: {  	v3 =	vor.u32 v3, v4  }
0x26f: {  	v4 =	vperm.xlane v3, v0;
	_ =	sdelay $0x1  }
0x270: {  	v4 =	vadd.s32 v1, v4;
	_ =	sdelay $0x1  }
0x271: {  	v3 =	vperm.xlane v3, v2;
	_ =	sdelay $0x1  }
0x272: {  	s26 =	simm.s32 $0x10100;
	v3 =	vadd.s32 v1, v3  }
0x273: {  	[tilespmem:s26], [sflag:$0x1] =	stream.indirect_vreg.gather [hbm4b:s3+s2], $0x80, v4, vm0, $0xb8;
	[tilespmem:$0x1E100] =	vst v63  }
0x274: {  	s26 =	simm.s32 $0x10900  }
0x275: {  	[tilespmem:s26], [sflag:$0x1] =	stream.indirect_vreg.gather [hbm4b:s5+s2], $0x80, v4, vm0, $0xb8;
	[tilespmem:$0x1E100] =	vst v63  }
0x276: {  	s26 =	simm.s32 $0x11100  }
0x277: {  	[tilespmem:s26], [sflag:$0x1] =	stream.indirect_vreg.gather [hbm4b:s3+s2], $0x80, v3, vm0, $0xb8;
	[tilespmem:$0x1E100] =	vst v63  }
0x278: {  	s26 =	simm.s32 $0x11900  }
0x279: {  	[tilespmem:s26], [sflag:$0x1] =	stream.indirect_vreg.gather [hbm4b:s5+s2], $0x80, v3, vm0, $0xb8;
	[tilespmem:$0x1E100] =	vst v63  }
0x27a: {  	v3 =	vld [tilespmem:$0x90];
	_ =	sdelay $0x4  }
0x27b: {  	v58 =	vshll.u32 v3, $0x2  }
0x27c: {  	v3 =	vand.u32 $0x7, v3;
	v4 =	vand.u32 $0xFFFFFFE0, v58  }
0x27d: {  	v3 =	vor.u32 v3, v4  }
0x27e: {  	v4 =	vperm.xlane v3, v0;
	_ =	sdelay $0x1  }
0x27f: {  	v4 =	vadd.s32 v1, v4;
	_ =	sdelay $0x1  }
0x280: {  	v3 =	vperm.xlane v3, v2;
	_ =	sdelay $0x1  }
0x281: {  	s26 =	simm.s32 $0x12100;
	v3 =	vadd.s32 v1, v3  }
0x282: {  	[tilespmem:s26], [sflag:$0x1] =	stream.indirect_vreg.gather [hbm4b:s3+s2], $0x80, v4, vm0, $0xb8;
	[tilespmem:$0x1E100] =	vst v63  }
0x283: {  	s26 =	simm.s32 $0x12900  }
0x284: {  	[tilespmem:s26], [sflag:$0x1] =	stream.indirect_vreg.gather [hbm4b:s5+s2], $0x80, v4, vm0, $0xb8;
	[tilespmem:$0x1E100] =	vst v63  }
0x285: {  	s26 =	simm.s32 $0x13100  }
0x286: {  	[tilespmem:s26], [sflag:$0x1] =	stream.indirect_vreg.gather [hbm4b:s3+s2], $0x80, v3, vm0, $0xb8;
	[tilespmem:$0x1E100] =	vst v63  }
0x287: {  	s26 =	simm.s32 $0x13900  }
0x288: {  	[tilespmem:s26], [sflag:$0x1] =	stream.indirect_vreg.gather [hbm4b:s5+s2], $0x80, v3, vm0, $0xb8;
	[tilespmem:$0x1E100] =	vst v63  }
0x289: {  	v3 =	vld [tilespmem:$0xA0];
	_ =	sdelay $0x4  }
0x28a: {  	v59 =	vshll.u32 v3, $0x2  }
0x28b: {  	v3 =	vand.u32 $0x7, v3;
	v4 =	vand.u32 $0xFFFFFFE0, v59  }
0x28c: {  	v3 =	vor.u32 v3, v4  }
0x28d: {  	v4 =	vperm.xlane v3, v0;
	_ =	sdelay $0x1  }
0x28e: {  	v4 =	vadd.s32 v1, v4;
	_ =	sdelay $0x1  }
0x28f: {  	v3 =	vperm.xlane v3, v2;
	_ =	sdelay $0x1  }
0x290: {  	s26 =	simm.s32 $0x14100;
	v3 =	vadd.s32 v1, v3  }
0x291: {  	[tilespmem:s26], [sflag:$0x1] =	stream.indirect_vreg.gather [hbm4b:s3+s2], $0x80, v4, vm0, $0xb8;
	[tilespmem:$0x1E100] =	vst v63  }
0x292: {  	s26 =	simm.s32 $0x14900  }
0x293: {  	[tilespmem:s26], [sflag:$0x1] =	stream.indirect_vreg.gather [hbm4b:s5+s2], $0x80, v4, vm0, $0xb8;
	[tilespmem:$0x1E100] =	vst v63  }
0x294: {  	s26 =	simm.s32 $0x15100  }
0x295: {  	[tilespmem:s26], [sflag:$0x1] =	stream.indirect_vreg.gather [hbm4b:s3+s2], $0x80, v3, vm0, $0xb8;
	[tilespmem:$0x1E100] =	vst v63  }
0x296: {  	s26 =	simm.s32 $0x15900  }
0x297: {  	[tilespmem:s26], [sflag:$0x1] =	stream.indirect_vreg.gather [hbm4b:s5+s2], $0x80, v3, vm0, $0xb8;
	[tilespmem:$0x1E100] =	vst v63  }
0x298: {  	v3 =	vld [tilespmem:$0xB0];
	_ =	sdelay $0x4  }
0x299: {  	v60 =	vshll.u32 v3, $0x2  }
0x29a: {  	v3 =	vand.u32 $0x7, v3;
	v4 =	vand.u32 $0xFFFFFFE0, v60  }
0x29b: {  	v3 =	vor.u32 v3, v4  }
0x29c: {  	v4 =	vperm.xlane v3, v0;
	_ =	sdelay $0x1  }
0x29d: {  	v4 =	vadd.s32 v1, v4;
	_ =	sdelay $0x1  }
0x29e: {  	v3 =	vperm.xlane v3, v2;
	_ =	sdelay $0x1  }
0x29f: {  	s26 =	simm.s32 $0x16100;
	v3 =	vadd.s32 v1, v3  }
0x2a0: {  	[tilespmem:s26], [sflag:$0x1] =	stream.indirect_vreg.gather [hbm4b:s3+s2], $0x80, v4, vm0, $0xb8;
	[tilespmem:$0x1E100] =	vst v63  }
0x2a1: {  	s26 =	simm.s32 $0x16900  }
0x2a2: {  	[tilespmem:s26], [sflag:$0x1] =	stream.indirect_vreg.gather [hbm4b:s5+s2], $0x80, v4, vm0, $0xb8;
	[tilespmem:$0x1E100] =	vst v63  }
0x2a3: {  	s26 =	simm.s32 $0x17100  }
0x2a4: {  	[tilespmem:s26], [sflag:$0x1] =	stream.indirect_vreg.gather [hbm4b:s3+s2], $0x80, v3, vm0, $0xb8;
	[tilespmem:$0x1E100] =	vst v63  }
0x2a5: {  	s26 =	simm.s32 $0x17900  }
0x2a6: {  	[tilespmem:s26], [sflag:$0x1] =	stream.indirect_vreg.gather [hbm4b:s5+s2], $0x80, v3, vm0, $0xb8;
	[tilespmem:$0x1E100] =	vst v63  }
0x2a7: {  	v3 =	vld [tilespmem:$0xC0];
	_ =	sdelay $0x4  }
0x2a8: {  	v61 =	vshll.u32 v3, $0x2  }
0x2a9: {  	v3 =	vand.u32 $0x7, v3;
	v4 =	vand.u32 $0xFFFFFFE0, v61  }
0x2aa: {  	v3 =	vor.u32 v3, v4  }
0x2ab: {  	v4 =	vperm.xlane v3, v0;
	_ =	sdelay $0x1  }
0x2ac: {  	v4 =	vadd.s32 v1, v4;
	_ =	sdelay $0x1  }
0x2ad: {  	v3 =	vperm.xlane v3, v2;
	_ =	sdelay $0x1  }
0x2ae: {  	s26 =	simm.s32 $0x18100;
	v3 =	vadd.s32 v1, v3  }
0x2af: {  	[tilespmem:s26], [sflag:$0x1] =	stream.indirect_vreg.gather [hbm4b:s3+s2], $0x80, v4, vm0, $0xb8;
	[tilespmem:$0x1E100] =	vst v63  }
0x2b0: {  	s26 =	simm.s32 $0x18900  }
0x2b1: {  	[tilespmem:s26], [sflag:$0x1] =	stream.indirect_vreg.gather [hbm4b:s5+s2], $0x80, v4, vm0, $0xb8;
	[tilespmem:$0x1E100] =	vst v63  }
0x2b2: {  	s26 =	simm.s32 $0x19100  }
0x2b3: {  	[tilespmem:s26], [sflag:$0x1] =	stream.indirect_vreg.gather [hbm4b:s3+s2], $0x80, v3, vm0, $0xb8;
	[tilespmem:$0x1E100] =	vst v63  }
0x2b4: {  	s26 =	simm.s32 $0x19900  }
0x2b5: {  	[tilespmem:s26], [sflag:$0x1] =	stream.indirect_vreg.gather [hbm4b:s5+s2], $0x80, v3, vm0, $0xb8;
	[tilespmem:$0x1E100] =	vst v63  }
0x2b6: {  	v3 =	vld [tilespmem:$0xD0];
	_ =	sdelay $0x4  }
0x2b7: {  	v62 =	vshll.u32 v3, $0x2  }
0x2b8: {  	v3 =	vand.u32 $0x7, v3;
	v4 =	vand.u32 $0xFFFFFFE0, v62  }
0x2b9: {  	v3 =	vor.u32 v3, v4  }
0x2ba: {  	v4 =	vperm.xlane v3, v0;
	_ =	sdelay $0x1  }
0x2bb: {  	v4 =	vadd.s32 v1, v4;
	_ =	sdelay $0x1  }
0x2bc: {  	v3 =	vperm.xlane v3, v2;
	_ =	sdelay $0x1  }
0x2bd: {  	s26 =	simm.s32 $0x1A100;
	v3 =	vadd.s32 v1, v3  }
0x2be: {  	[tilespmem:s26], [sflag:$0x1] =	stream.indirect_vreg.gather [hbm4b:s3+s2], $0x80, v4, vm0, $0xb8;
	[tilespmem:$0x1E100] =	vst v63  }
0x2bf: {  	s26 =	simm.s32 $0x1A900  }
0x2c0: {  	[tilespmem:s26], [sflag:$0x1] =	stream.indirect_vreg.gather [hbm4b:s5+s2], $0x80, v4, vm0, $0xb8;
	[tilespmem:$0x1E100] =	vst v63  }
0x2c1: {  	s26 =	simm.s32 $0x1B100  }
0x2c2: {  	[tilespmem:s26], [sflag:$0x1] =	stream.indirect_vreg.gather [hbm4b:s3+s2], $0x80, v3, vm0, $0xb8;
	[tilespmem:$0x1E100] =	vst v63  }
0x2c3: {  	s26 =	simm.s32 $0x1B900  }
0x2c4: {  	[tilespmem:s26], [sflag:$0x1] =	stream.indirect_vreg.gather [hbm4b:s5+s2], $0x80, v3, vm0, $0xb8;
	[tilespmem:$0x1E100] =	vst v63  }
0x2c5: {  	v3 =	vld [tilespmem:$0xE0];
	_ =	sdelay $0x4  }
0x2c6: {  	v63 =	vshll.u32 v3, $0x2  }
0x2c7: {  	v3 =	vand.u32 $0x7, v3;
	v4 =	vand.u32 $0xFFFFFFE0, v63  }
0x2c8: {  	v3 =	vor.u32 v3, v4  }
0x2c9: {  	v4 =	vperm.xlane v3, v0;
	_ =	sdelay $0x1  }
0x2ca: {  	v4 =	vadd.s32 v1, v4;
	_ =	sdelay $0x1  }
0x2cb: {  	s28 =	simm.s32 $0x1100;
	s30 =	simm.s32 $0x1900;
	v3 =	vperm.xlane v3, v2  }
0x2cc: {  	s31 =	simm.s32 $0x2100;
	s1 =	simm.s32 $0x2900;
	s11 =	simm.s32 $0x3900  }
0x2cd: {  	s12 =	simm.s32 $0x4100;
	s4 =	simm.s32 $0x4900;
	s26 =	simm.s32 $0x1C100;
	v3 =	vadd.s32 v1, v3  }
0x2ce: {  	[tilespmem:s26], [sflag:$0x1] =	stream.indirect_vreg.gather [hbm4b:s3+s2], $0x80, v4, vm0, $0xb8;
	[tilespmem:$0x1E100] =	vst v63  }
0x2cf: {  	s6 =	simm.s32 $0x5100;
	s7 =	simm.s32 $0x5900;
	s26 =	simm.s32 $0x1C900  }
0x2d0: {  	[tilespmem:s26], [sflag:$0x1] =	stream.indirect_vreg.gather [hbm4b:s5+s2], $0x80, v4, vm0, $0xb8;
	[tilespmem:$0x1E100] =	vst v63  }
0x2d1: {  	s8 =	simm.s32 $0x6100;
	s9 =	simm.s32 $0x6900;
	s26 =	simm.s32 $0x1D100  }
0x2d2: {  	[tilespmem:s26], [sflag:$0x1] =	stream.indirect_vreg.gather [hbm4b:s3+s2], $0x80, v3, vm0, $0xb8;
	[tilespmem:$0x1E100] =	vst v63  }
0x2d3: {  	s10 =	simm.s32 $0x7100;
	s16 =	simm.s32 $0x7900;
	s26 =	simm.s32 $0x1D900  }
0x2d4: {  	[tilespmem:s26], [sflag:$0x1] =	stream.indirect_vreg.gather [hbm4b:s5+s2], $0x80, v3, vm0, $0xb8;
	[tilespmem:$0x1E100] =	vst v63  }
0x2d5: {  	s17 =	simm.s32 $0x8100;
	s18 =	simm.s32 $0x8900;
	_ =	swait.ge [sflag:s25], $0x1E000  }
0x2d6: {  	s19 =	simm.s32 $0x9100;
	s20 =	simm.s32 $0x9900;
	[sflag:s25] =	ssyncset.done $0x0  }
.Ltmp2:
0x2d7: {  	s26 =	rddreg [dreg:$0x8];
	[sflag:s25] =	ssyncadd.s32 $0xFFFE2000;
	(pc) =	sbr.rel @p0 .LBB2_3-.Ltmp2, $4  }
0x2d8: {  	[hbm4b:s26+s2] =	stream.linear.scatter [tilespmem:s0], [sflag:$0x2], $0x1E000, $0x38;
	[tilespmem:$0x1E100] =	vst v63  }
0x2d9: {  	s21 =	simm.s32 $0xA100;
	s22 =	simm.s32 $0xA900;
	_ =	swait.ge [sflag:s14], $0x1E000  }
0x2da: {  	s23 =	simm.s32 $0xB100;
	s24 =	simm.s32 $0xB900;
	[sflag:s14] =	ssyncset.done $0x0  }
0x2db: {  	s29 =	simm.s32 $0xC100;
	s15 =	simm.s32 $0xC900;
	[sflag:s14] =	ssyncadd.s32 $0xFFFE2000  }
0x2dc: {  	s26 =	rddreg [dreg:$0x9]  }
0x2dd: {  	[tilespmem:s2], [sflag:$0x2] =	stream.linear.gather [hbm4b:s26+s2], $0xF0, $0x38;
	[tilespmem:$0x1E100] =	vst v63  }
0x2de: {  	_ =	swait.ge [sflag:s14], $0xF0  }
0x2df: {  	[sflag:s14] =	ssyncset.done $0x0  }
0x2e0: {  	[sflag:s14] =	ssyncadd.s32 $0xFFFFFF10  }
0x2e1: {  	v3 =	vld [tilespmem:$0x0];
	_ =	sdelay $0x4  }
0x2e2: {  	v4 =	vshll.u32 v3, $0x2  }
0x2e3: {  	v3 =	vand.u32 $0x7, v3;
	v4 =	vand.u32 $0xFFFFFFE0, v4  }
0x2e4: {  	v3 =	vor.u32 v3, v4  }
0x2e5: {  	v4 =	vperm.xlane v3, v0;
	_ =	sdelay $0x1  }
0x2e6: {  	v4 =	vadd.s32 v1, v4;
	_ =	sdelay $0x1  }
0x2e7: {  	v3 =	vperm.xlane v3, v2;
	_ =	sdelay $0x1  }
0x2e8: {  	s0 =	simm.s32 $0x100;
	v3 =	vadd.s32 v1, v3  }
0x2e9: {  	[tilespmem:s0], [sflag:$0x1] =	stream.indirect_vreg.gather [hbm4b:s3+s2], $0x80, v4, vm0, $0xb8;
	[tilespmem:$0x1E100] =	vst v63  }
0x2ea: {  	s26 =	simm.s32 $0x900  }
0x2eb: {  	[tilespmem:s26], [sflag:$0x1] =	stream.indirect_vreg.gather [hbm4b:s5+s2], $0x80, v4, vm0, $0xb8;
	[tilespmem:$0x1E100] =	vst v63  }
0x2ec: {  	_ = 	snop  }
0x2ed: {  	[tilespmem:s28], [sflag:$0x1] =	stream.indirect_vreg.gather [hbm4b:s3+s2], $0x80, v3, vm0, $0xb8;
	[tilespmem:$0x1E100] =	vst v63  }
0x2ee: {  	_ = 	snop  }
0x2ef: {  	[tilespmem:s30], [sflag:$0x1] =	stream.indirect_vreg.gather [hbm4b:s5+s2], $0x80, v3, vm0, $0xb8;
	[tilespmem:$0x1E100] =	vst v63  }
0x2f0: {  	v3 =	vld [tilespmem:$0x10];
	_ =	sdelay $0x4  }
0x2f1: {  	v50 =	vshll.u32 v3, $0x2  }
0x2f2: {  	v3 =	vand.u32 $0x7, v3;
	v4 =	vand.u32 $0xFFFFFFE0, v50  }
0x2f3: {  	v3 =	vor.u32 v3, v4  }
0x2f4: {  	v4 =	vperm.xlane v3, v0;
	_ =	sdelay $0x1  }
0x2f5: {  	v4 =	vadd.s32 v1, v4;
	_ =	sdelay $0x1  }
0x2f6: {  	v3 =	vperm.xlane v3, v2;
	_ =	sdelay $0x1  }
0x2f7: {  	v3 =	vadd.s32 v1, v3  }
0x2f8: {  	[tilespmem:s31], [sflag:$0x1] =	stream.indirect_vreg.gather [hbm4b:s3+s2], $0x80, v4, vm0, $0xb8;
	[tilespmem:$0x1E100] =	vst v63  }
0x2f9: {  	_ = 	snop  }
0x2fa: {  	[tilespmem:s1], [sflag:$0x1] =	stream.indirect_vreg.gather [hbm4b:s5+s2], $0x80, v4, vm0, $0xb8;
	[tilespmem:$0x1E100] =	vst v63  }
0x2fb: {  	s31 =	simm.s32 $0x3100  }
0x2fc: {  	[tilespmem:s31], [sflag:$0x1] =	stream.indirect_vreg.gather [hbm4b:s3+s2], $0x80, v3, vm0, $0xb8;
	[tilespmem:$0x1E100] =	vst v63  }
0x2fd: {  	_ = 	snop  }
0x2fe: {  	[tilespmem:s11], [sflag:$0x1] =	stream.indirect_vreg.gather [hbm4b:s5+s2], $0x80, v3, vm0, $0xb8;
	[tilespmem:$0x1E100] =	vst v63  }
0x2ff: {  	v3 =	vld [tilespmem:$0x20];
	_ =	sdelay $0x4  }
0x300: {  	v51 =	vshll.u32 v3, $0x2  }
0x301: {  	v3 =	vand.u32 $0x7, v3;
	v4 =	vand.u32 $0xFFFFFFE0, v51  }
0x302: {  	v3 =	vor.u32 v3, v4  }
0x303: {  	v4 =	vperm.xlane v3, v0;
	_ =	sdelay $0x1  }
0x304: {  	v4 =	vadd.s32 v1, v4;
	_ =	sdelay $0x1  }
0x305: {  	v3 =	vperm.xlane v3, v2;
	_ =	sdelay $0x1  }
0x306: {  	v3 =	vadd.s32 v1, v3  }
0x307: {  	[tilespmem:s12], [sflag:$0x1] =	stream.indirect_vreg.gather [hbm4b:s3+s2], $0x80, v4, vm0, $0xb8;
	[tilespmem:$0x1E100] =	vst v63  }
0x308: {  	_ = 	snop  }
0x309: {  	[tilespmem:s4], [sflag:$0x1] =	stream.indirect_vreg.gather [hbm4b:s5+s2], $0x80, v4, vm0, $0xb8;
	[tilespmem:$0x1E100] =	vst v63  }
0x30a: {  	_ = 	snop  }
0x30b: {  	[tilespmem:s6], [sflag:$0x1] =	stream.indirect_vreg.gather [hbm4b:s3+s2], $0x80, v3, vm0, $0xb8;
	[tilespmem:$0x1E100] =	vst v63  }
0x30c: {  	_ = 	snop  }
0x30d: {  	[tilespmem:s7], [sflag:$0x1] =	stream.indirect_vreg.gather [hbm4b:s5+s2], $0x80, v3, vm0, $0xb8;
	[tilespmem:$0x1E100] =	vst v63  }
0x30e: {  	v3 =	vld [tilespmem:$0x30];
	_ =	sdelay $0x4  }
0x30f: {  	v52 =	vshll.u32 v3, $0x2  }
0x310: {  	v3 =	vand.u32 $0x7, v3;
	v4 =	vand.u32 $0xFFFFFFE0, v52  }
0x311: {  	v3 =	vor.u32 v3, v4  }
0x312: {  	v4 =	vperm.xlane v3, v0;
	_ =	sdelay $0x1  }
0x313: {  	v4 =	vadd.s32 v1, v4;
	_ =	sdelay $0x1  }
0x314: {  	v3 =	vperm.xlane v3, v2;
	_ =	sdelay $0x1  }
0x315: {  	v3 =	vadd.s32 v1, v3  }
0x316: {  	[tilespmem:s8], [sflag:$0x1] =	stream.indirect_vreg.gather [hbm4b:s3+s2], $0x80, v4, vm0, $0xb8;
	[tilespmem:$0x1E100] =	vst v63  }
0x317: {  	_ = 	snop  }
0x318: {  	[tilespmem:s9], [sflag:$0x1] =	stream.indirect_vreg.gather [hbm4b:s5+s2], $0x80, v4, vm0, $0xb8;
	[tilespmem:$0x1E100] =	vst v63  }
0x319: {  	_ = 	snop  }
0x31a: {  	[tilespmem:s10], [sflag:$0x1] =	stream.indirect_vreg.gather [hbm4b:s3+s2], $0x80, v3, vm0, $0xb8;
	[tilespmem:$0x1E100] =	vst v63  }
0x31b: {  	_ = 	snop  }
0x31c: {  	[tilespmem:s16], [sflag:$0x1] =	stream.indirect_vreg.gather [hbm4b:s5+s2], $0x80, v3, vm0, $0xb8;
	[tilespmem:$0x1E100] =	vst v63  }
0x31d: {  	v3 =	vld [tilespmem:$0x40];
	_ =	sdelay $0x4  }
0x31e: {  	v53 =	vshll.u32 v3, $0x2  }
0x31f: {  	v3 =	vand.u32 $0x7, v3;
	v4 =	vand.u32 $0xFFFFFFE0, v53  }
0x320: {  	v3 =	vor.u32 v3, v4  }
0x321: {  	v4 =	vperm.xlane v3, v0;
	_ =	sdelay $0x1  }
0x322: {  	v4 =	vadd.s32 v1, v4;
	_ =	sdelay $0x1  }
0x323: {  	v3 =	vperm.xlane v3, v2;
	_ =	sdelay $0x1  }
0x324: {  	v3 =	vadd.s32 v1, v3  }
0x325: {  	[tilespmem:s17], [sflag:$0x1] =	stream.indirect_vreg.gather [hbm4b:s3+s2], $0x80, v4, vm0, $0xb8;
	[tilespmem:$0x1E100] =	vst v63  }
0x326: {  	_ = 	snop  }
0x327: {  	[tilespmem:s18], [sflag:$0x1] =	stream.indirect_vreg.gather [hbm4b:s5+s2], $0x80, v4, vm0, $0xb8;
	[tilespmem:$0x1E100] =	vst v63  }
0x328: {  	_ = 	snop  }
0x329: {  	[tilespmem:s19], [sflag:$0x1] =	stream.indirect_vreg.gather [hbm4b:s3+s2], $0x80, v3, vm0, $0xb8;
	[tilespmem:$0x1E100] =	vst v63  }
0x32a: {  	_ = 	snop  }
0x32b: {  	[tilespmem:s20], [sflag:$0x1] =	stream.indirect_vreg.gather [hbm4b:s5+s2], $0x80, v3, vm0, $0xb8;
	[tilespmem:$0x1E100] =	vst v63  }
0x32c: {  	v3 =	vld [tilespmem:$0x50];
	_ =	sdelay $0x4  }
0x32d: {  	v54 =	vshll.u32 v3, $0x2  }
0x32e: {  	v3 =	vand.u32 $0x7, v3;
	v4 =	vand.u32 $0xFFFFFFE0, v54  }
0x32f: {  	v3 =	vor.u32 v3, v4  }
0x330: {  	v4 =	vperm.xlane v3, v0;
	_ =	sdelay $0x1  }
0x331: {  	v4 =	vadd.s32 v1, v4;
	_ =	sdelay $0x1  }
0x332: {  	v3 =	vperm.xlane v3, v2;
	_ =	sdelay $0x1  }
0x333: {  	v3 =	vadd.s32 v1, v3  }
0x334: {  	[tilespmem:s21], [sflag:$0x1] =	stream.indirect_vreg.gather [hbm4b:s3+s2], $0x80, v4, vm0, $0xb8;
	[tilespmem:$0x1E100] =	vst v63  }
0x335: {  	_ = 	snop  }
0x336: {  	[tilespmem:s22], [sflag:$0x1] =	stream.indirect_vreg.gather [hbm4b:s5+s2], $0x80, v4, vm0, $0xb8;
	[tilespmem:$0x1E100] =	vst v63  }
0x337: {  	_ = 	snop  }
0x338: {  	[tilespmem:s23], [sflag:$0x1] =	stream.indirect_vreg.gather [hbm4b:s3+s2], $0x80, v3, vm0, $0xb8;
	[tilespmem:$0x1E100] =	vst v63  }
0x339: {  	_ = 	snop  }
0x33a: {  	[tilespmem:s24], [sflag:$0x1] =	stream.indirect_vreg.gather [hbm4b:s5+s2], $0x80, v3, vm0, $0xb8;
	[tilespmem:$0x1E100] =	vst v63  }
0x33b: {  	v3 =	vld [tilespmem:$0x60];
	_ =	sdelay $0x4  }
0x33c: {  	v55 =	vshll.u32 v3, $0x2  }
0x33d: {  	v3 =	vand.u32 $0x7, v3;
	v4 =	vand.u32 $0xFFFFFFE0, v55  }
0x33e: {  	v3 =	vor.u32 v3, v4  }
0x33f: {  	v4 =	vperm.xlane v3, v0;
	_ =	sdelay $0x1  }
0x340: {  	v4 =	vadd.s32 v1, v4;
	_ =	sdelay $0x1  }
0x341: {  	v3 =	vperm.xlane v3, v2;
	_ =	sdelay $0x1  }
0x342: {  	v3 =	vadd.s32 v1, v3  }
0x343: {  	[tilespmem:s29], [sflag:$0x1] =	stream.indirect_vreg.gather [hbm4b:s3+s2], $0x80, v4, vm0, $0xb8;
	[tilespmem:$0x1E100] =	vst v63  }
0x344: {  	_ = 	snop  }
0x345: {  	[tilespmem:s15], [sflag:$0x1] =	stream.indirect_vreg.gather [hbm4b:s5+s2], $0x80, v4, vm0, $0xb8;
	[tilespmem:$0x1E100] =	vst v63  }
0x346: {  	s18 =	simm.s32 $0xD100  }
0x347: {  	[tilespmem:s18], [sflag:$0x1] =	stream.indirect_vreg.gather [hbm4b:s3+s2], $0x80, v3, vm0, $0xb8;
	[tilespmem:$0x1E100] =	vst v63  }
0x348: {  	s19 =	simm.s32 $0xD900  }
0x349: {  	[tilespmem:s19], [sflag:$0x1] =	stream.indirect_vreg.gather [hbm4b:s5+s2], $0x80, v3, vm0, $0xb8;
	[tilespmem:$0x1E100] =	vst v63  }
0x34a: {  	v3 =	vld [tilespmem:$0x70];
	_ =	sdelay $0x4  }
0x34b: {  	v56 =	vshll.u32 v3, $0x2  }
0x34c: {  	v3 =	vand.u32 $0x7, v3;
	v4 =	vand.u32 $0xFFFFFFE0, v56  }
0x34d: {  	v3 =	vor.u32 v3, v4  }
0x34e: {  	v4 =	vperm.xlane v3, v0;
	_ =	sdelay $0x1  }
0x34f: {  	v4 =	vadd.s32 v1, v4;
	_ =	sdelay $0x1  }
0x350: {  	v3 =	vperm.xlane v3, v2;
	_ =	sdelay $0x1  }
0x351: {  	s20 =	simm.s32 $0xE100;
	v3 =	vadd.s32 v1, v3  }
0x352: {  	[tilespmem:s20], [sflag:$0x1] =	stream.indirect_vreg.gather [hbm4b:s3+s2], $0x80, v4, vm0, $0xb8;
	[tilespmem:$0x1E100] =	vst v63  }
0x353: {  	s21 =	simm.s32 $0xE900  }
0x354: {  	[tilespmem:s21], [sflag:$0x1] =	stream.indirect_vreg.gather [hbm4b:s5+s2], $0x80, v4, vm0, $0xb8;
	[tilespmem:$0x1E100] =	vst v63  }
0x355: {  	s22 =	simm.s32 $0xF100  }
0x356: {  	[tilespmem:s22], [sflag:$0x1] =	stream.indirect_vreg.gather [hbm4b:s3+s2], $0x80, v3, vm0, $0xb8;
	[tilespmem:$0x1E100] =	vst v63  }
0x357: {  	s23 =	simm.s32 $0xF900  }
0x358: {  	[tilespmem:s23], [sflag:$0x1] =	stream.indirect_vreg.gather [hbm4b:s5+s2], $0x80, v3, vm0, $0xb8;
	[tilespmem:$0x1E100] =	vst v63  }
0x359: {  	v3 =	vld [tilespmem:$0x80];
	_ =	sdelay $0x4  }
0x35a: {  	v57 =	vshll.u32 v3, $0x2  }
0x35b: {  	v3 =	vand.u32 $0x7, v3;
	v4 =	vand.u32 $0xFFFFFFE0, v57  }
0x35c: {  	v3 =	vor.u32 v3, v4  }
0x35d: {  	v4 =	vperm.xlane v3, v0;
	_ =	sdelay $0x1  }
0x35e: {  	v4 =	vadd.s32 v1, v4;
	_ =	sdelay $0x1  }
0x35f: {  	v3 =	vperm.xlane v3, v2;
	_ =	sdelay $0x1  }
0x360: {  	s24 =	simm.s32 $0x10100;
	v3 =	vadd.s32 v1, v3  }
0x361: {  	[tilespmem:s24], [sflag:$0x1] =	stream.indirect_vreg.gather [hbm4b:s3+s2], $0x80, v4, vm0, $0xb8;
	[tilespmem:$0x1E100] =	vst v63  }
0x362: {  	s26 =	simm.s32 $0x10900  }
0x363: {  	[tilespmem:s26], [sflag:$0x1] =	stream.indirect_vreg.gather [hbm4b:s5+s2], $0x80, v4, vm0, $0xb8;
	[tilespmem:$0x1E100] =	vst v63  }
0x364: {  	s28 =	simm.s32 $0x11100  }
0x365: {  	[tilespmem:s28], [sflag:$0x1] =	stream.indirect_vreg.gather [hbm4b:s3+s2], $0x80, v3, vm0, $0xb8;
	[tilespmem:$0x1E100] =	vst v63  }
0x366: {  	s29 =	simm.s32 $0x11900  }
0x367: {  	[tilespmem:s29], [sflag:$0x1] =	stream.indirect_vreg.gather [hbm4b:s5+s2], $0x80, v3, vm0, $0xb8;
	[tilespmem:$0x1E100] =	vst v63  }
0x368: {  	v3 =	vld [tilespmem:$0x90];
	_ =	sdelay $0x4  }
0x369: {  	v58 =	vshll.u32 v3, $0x2  }
0x36a: {  	v3 =	vand.u32 $0x7, v3;
	v4 =	vand.u32 $0xFFFFFFE0, v58  }
0x36b: {  	v3 =	vor.u32 v3, v4  }
0x36c: {  	v4 =	vperm.xlane v3, v0;
	_ =	sdelay $0x1  }
0x36d: {  	v4 =	vadd.s32 v1, v4;
	_ =	sdelay $0x1  }
0x36e: {  	v3 =	vperm.xlane v3, v2;
	_ =	sdelay $0x1  }
0x36f: {  	s30 =	simm.s32 $0x12100;
	v3 =	vadd.s32 v1, v3  }
0x370: {  	[tilespmem:s30], [sflag:$0x1] =	stream.indirect_vreg.gather [hbm4b:s3+s2], $0x80, v4, vm0, $0xb8;
	[tilespmem:$0x1E100] =	vst v63  }
0x371: {  	s31 =	simm.s32 $0x12900  }
0x372: {  	[tilespmem:s31], [sflag:$0x1] =	stream.indirect_vreg.gather [hbm4b:s5+s2], $0x80, v4, vm0, $0xb8;
	[tilespmem:$0x1E100] =	vst v63  }
0x373: {  	s4 =	simm.s32 $0x13100  }
0x374: {  	[tilespmem:s4], [sflag:$0x1] =	stream.indirect_vreg.gather [hbm4b:s3+s2], $0x80, v3, vm0, $0xb8;
	[tilespmem:$0x1E100] =	vst v63  }
0x375: {  	s6 =	simm.s32 $0x13900  }
0x376: {  	[tilespmem:s6], [sflag:$0x1] =	stream.indirect_vreg.gather [hbm4b:s5+s2], $0x80, v3, vm0, $0xb8;
	[tilespmem:$0x1E100] =	vst v63  }
0x377: {  	v3 =	vld [tilespmem:$0xA0];
	_ =	sdelay $0x4  }
0x378: {  	v59 =	vshll.u32 v3, $0x2  }
0x379: {  	v3 =	vand.u32 $0x7, v3;
	v4 =	vand.u32 $0xFFFFFFE0, v59  }
0x37a: {  	v3 =	vor.u32 v3, v4  }
0x37b: {  	v4 =	vperm.xlane v3, v0;
	_ =	sdelay $0x1  }
0x37c: {  	v4 =	vadd.s32 v1, v4;
	_ =	sdelay $0x1  }
0x37d: {  	v3 =	vperm.xlane v3, v2;
	_ =	sdelay $0x1  }
0x37e: {  	s7 =	simm.s32 $0x14100;
	v3 =	vadd.s32 v1, v3  }
0x37f: {  	[tilespmem:s7], [sflag:$0x1] =	stream.indirect_vreg.gather [hbm4b:s3+s2], $0x80, v4, vm0, $0xb8;
	[tilespmem:$0x1E100] =	vst v63  }
0x380: {  	s8 =	simm.s32 $0x14900  }
0x381: {  	[tilespmem:s8], [sflag:$0x1] =	stream.indirect_vreg.gather [hbm4b:s5+s2], $0x80, v4, vm0, $0xb8;
	[tilespmem:$0x1E100] =	vst v63  }
0x382: {  	s9 =	simm.s32 $0x15100  }
0x383: {  	[tilespmem:s9], [sflag:$0x1] =	stream.indirect_vreg.gather [hbm4b:s3+s2], $0x80, v3, vm0, $0xb8;
	[tilespmem:$0x1E100] =	vst v63  }
0x384: {  	s10 =	simm.s32 $0x15900  }
0x385: {  	[tilespmem:s10], [sflag:$0x1] =	stream.indirect_vreg.gather [hbm4b:s5+s2], $0x80, v3, vm0, $0xb8;
	[tilespmem:$0x1E100] =	vst v63  }
0x386: {  	v3 =	vld [tilespmem:$0xB0];
	_ =	sdelay $0x4  }
0x387: {  	v60 =	vshll.u32 v3, $0x2  }
0x388: {  	v3 =	vand.u32 $0x7, v3;
	v4 =	vand.u32 $0xFFFFFFE0, v60  }
0x389: {  	v3 =	vor.u32 v3, v4  }
0x38a: {  	v4 =	vperm.xlane v3, v0;
	_ =	sdelay $0x1  }
0x38b: {  	v4 =	vadd.s32 v1, v4;
	_ =	sdelay $0x1  }
0x38c: {  	v3 =	vperm.xlane v3, v2;
	_ =	sdelay $0x1  }
0x38d: {  	s11 =	simm.s32 $0x16100;
	v3 =	vadd.s32 v1, v3  }
0x38e: {  	[tilespmem:s11], [sflag:$0x1] =	stream.indirect_vreg.gather [hbm4b:s3+s2], $0x80, v4, vm0, $0xb8;
	[tilespmem:$0x1E100] =	vst v63  }
0x38f: {  	s12 =	simm.s32 $0x16900  }
0x390: {  	[tilespmem:s12], [sflag:$0x1] =	stream.indirect_vreg.gather [hbm4b:s5+s2], $0x80, v4, vm0, $0xb8;
	[tilespmem:$0x1E100] =	vst v63  }
0x391: {  	s15 =	simm.s32 $0x17100  }
0x392: {  	[tilespmem:s15], [sflag:$0x1] =	stream.indirect_vreg.gather [hbm4b:s3+s2], $0x80, v3, vm0, $0xb8;
	[tilespmem:$0x1E100] =	vst v63  }
0x393: {  	s16 =	simm.s32 $0x17900  }
0x394: {  	[tilespmem:s16], [sflag:$0x1] =	stream.indirect_vreg.gather [hbm4b:s5+s2], $0x80, v3, vm0, $0xb8;
	[tilespmem:$0x1E100] =	vst v63  }
0x395: {  	v3 =	vld [tilespmem:$0xC0];
	_ =	sdelay $0x4  }
0x396: {  	v61 =	vshll.u32 v3, $0x2  }
0x397: {  	v3 =	vand.u32 $0x7, v3;
	v4 =	vand.u32 $0xFFFFFFE0, v61  }
0x398: {  	v3 =	vor.u32 v3, v4  }
0x399: {  	v4 =	vperm.xlane v3, v0;
	_ =	sdelay $0x1  }
0x39a: {  	v4 =	vadd.s32 v1, v4;
	_ =	sdelay $0x1  }
0x39b: {  	v3 =	vperm.xlane v3, v2;
	_ =	sdelay $0x1  }
0x39c: {  	s17 =	simm.s32 $0x18100;
	v3 =	vadd.s32 v1, v3  }
0x39d: {  	[tilespmem:s17], [sflag:$0x1] =	stream.indirect_vreg.gather [hbm4b:s3+s2], $0x80, v4, vm0, $0xb8;
	[tilespmem:$0x1E100] =	vst v63  }
0x39e: {  	s18 =	simm.s32 $0x18900  }
0x39f: {  	[tilespmem:s18], [sflag:$0x1] =	stream.indirect_vreg.gather [hbm4b:s5+s2], $0x80, v4, vm0, $0xb8;
	[tilespmem:$0x1E100] =	vst v63  }
0x3a0: {  	s19 =	simm.s32 $0x19100  }
0x3a1: {  	[tilespmem:s19], [sflag:$0x1] =	stream.indirect_vreg.gather [hbm4b:s3+s2], $0x80, v3, vm0, $0xb8;
	[tilespmem:$0x1E100] =	vst v63  }
0x3a2: {  	s20 =	simm.s32 $0x19900  }
0x3a3: {  	[tilespmem:s20], [sflag:$0x1] =	stream.indirect_vreg.gather [hbm4b:s5+s2], $0x80, v3, vm0, $0xb8;
	[tilespmem:$0x1E100] =	vst v63  }
0x3a4: {  	v3 =	vld [tilespmem:$0xD0];
	_ =	sdelay $0x4  }
0x3a5: {  	v62 =	vshll.u32 v3, $0x2  }
0x3a6: {  	v3 =	vand.u32 $0x7, v3;
	v4 =	vand.u32 $0xFFFFFFE0, v62  }
0x3a7: {  	v3 =	vor.u32 v3, v4  }
0x3a8: {  	v4 =	vperm.xlane v3, v0;
	_ =	sdelay $0x1  }
0x3a9: {  	v4 =	vadd.s32 v1, v4;
	_ =	sdelay $0x1  }
0x3aa: {  	v3 =	vperm.xlane v3, v2;
	_ =	sdelay $0x1  }
0x3ab: {  	s21 =	simm.s32 $0x1A100;
	v3 =	vadd.s32 v1, v3  }
0x3ac: {  	[tilespmem:s21], [sflag:$0x1] =	stream.indirect_vreg.gather [hbm4b:s3+s2], $0x80, v4, vm0, $0xb8;
	[tilespmem:$0x1E100] =	vst v63  }
0x3ad: {  	s22 =	simm.s32 $0x1A900  }
0x3ae: {  	[tilespmem:s22], [sflag:$0x1] =	stream.indirect_vreg.gather [hbm4b:s5+s2], $0x80, v4, vm0, $0xb8;
	[tilespmem:$0x1E100] =	vst v63  }
0x3af: {  	s23 =	simm.s32 $0x1B100  }
0x3b0: {  	[tilespmem:s23], [sflag:$0x1] =	stream.indirect_vreg.gather [hbm4b:s3+s2], $0x80, v3, vm0, $0xb8;
	[tilespmem:$0x1E100] =	vst v63  }
0x3b1: {  	s24 =	simm.s32 $0x1B900  }
0x3b2: {  	[tilespmem:s24], [sflag:$0x1] =	stream.indirect_vreg.gather [hbm4b:s5+s2], $0x80, v3, vm0, $0xb8;
	[tilespmem:$0x1E100] =	vst v63  }
0x3b3: {  	v3 =	vld [tilespmem:$0xE0];
	_ =	sdelay $0x4  }
0x3b4: {  	v63 =	vshll.u32 v3, $0x2  }
0x3b5: {  	v3 =	vand.u32 $0x7, v3;
	v4 =	vand.u32 $0xFFFFFFE0, v63  }
0x3b6: {  	v3 =	vor.u32 v3, v4  }
0x3b7: {  	v4 =	vperm.xlane v3, v0;
	_ =	sdelay $0x1  }
0x3b8: {  	v4 =	vadd.s32 v1, v4;
	_ =	sdelay $0x1  }
0x3b9: {  	v3 =	vperm.xlane v3, v2;
	_ =	sdelay $0x1  }
0x3ba: {  	s26 =	simm.s32 $0x1C100;
	v3 =	vadd.s32 v1, v3  }
0x3bb: {  	[tilespmem:s26], [sflag:$0x1] =	stream.indirect_vreg.gather [hbm4b:s3+s2], $0x80, v4, vm0, $0xb8;
	[tilespmem:$0x1E100] =	vst v63  }
0x3bc: {  	s28 =	simm.s32 $0x1C900  }
0x3bd: {  	[tilespmem:s28], [sflag:$0x1] =	stream.indirect_vreg.gather [hbm4b:s5+s2], $0x80, v4, vm0, $0xb8;
	[tilespmem:$0x1E100] =	vst v63  }
0x3be: {  	s29 =	simm.s32 $0x1D100  }
0x3bf: {  	[tilespmem:s29], [sflag:$0x1] =	stream.indirect_vreg.gather [hbm4b:s3+s2], $0x80, v3, vm0, $0xb8;
	[tilespmem:$0x1E100] =	vst v63  }
0x3c0: {  	s30 =	simm.s32 $0x1D900  }
0x3c1: {  	[tilespmem:s30], [sflag:$0x1] =	stream.indirect_vreg.gather [hbm4b:s5+s2], $0x80, v3, vm0, $0xb8;
	[tilespmem:$0x1E100] =	vst v63  }
0x3c2: {  	_ =	swait.ge [sflag:s25], $0x1E000  }
0x3c3: {  	[sflag:s25] =	ssyncset.done $0x0  }
.Ltmp3:
0x3c4: {  	s31 =	rddreg [dreg:$0xa];
	[sflag:s25] =	ssyncadd.s32 $0xFFFE2000;
	(pc) =	sbr.rel .LBB2_3-.Ltmp3, $4  }
0x3c5: {  	[hbm4b:s31+s2] =	stream.linear.scatter [tilespmem:s0], [sflag:$0x2], $0x1E000, $0x38;
	[tilespmem:$0x1E100] =	vst v63  }
0x3c6: {  	_ =	swait.ge [sflag:s14], $0x1E000  }
0x3c7: {  	[sflag:s14] =	ssyncset.done $0x0  }
0x3c8: {  	[sflag:s14] =	ssyncadd.s32 $0xFFFE2000  }
.LBB2_4:
0x3c9: {  	_ =	sfence.sel $0x180000  }
0x3ca: {  	[bflag:$0x0] =	sbarrier.arrive $0xFFFF  }
0x3cb: {  	_ =	strace $0x90000047  }
0x3cc: {  	s0 =	stileid.u32;
	[bflag:$0x2] =	sbarrier.arrive $0xFFFF  }
0x3cd: {  	p0 =	sne.s32 s0, $0x0;
	s0 =	rddreg [dreg:$0x2]  }
0x3ce: {  	s0 =	sadd.s32 @!p0 $0x100000, s0  }
0x3cf: {  	[sflag:s0] =	ssyncadd.tile.s32 @!p0 $0x1;
	_ =	shalt  }
.Lfunc_end2:
_tile_overlayer_lowered:
.L_overlay_start_2:
0x3d0: {  	(tag) =	ssettag $0x2  }
0x3d1: {  	s0 =	rddreg [dreg:$0x0];
	s2 =	stileid.u32  }
0x3d2: {  	s1 =	rddreg [dreg:$0x1];
	p0 =	sne.s32 s2, $0x0  }
0x3d3: {  	s3 =	rddreg [dreg:$0x2];
	[bflag:$0x3] =	sbarrier.arrive $0xFFFF;
	s2 =	simm.s32 @!p0 $0x1C02  }
0x3d4: {  	[timem:s3], [sflag:s2] =	dma.local @!p0 [hbm:s0], s1  }
0x3d5: {  	s0 =	simm.s32 @!p0 $0x2  }
0x3d6: {  	_ =	swait.ge @!p0 [sflag:s0], s1  }
0x3d7: {  	s1 =	ssub.s32 @!p0 $0x0, s1;
	[sflag:s0] =	ssyncset.done @!p0 $0x0  }
0x3d8: {  	[sflag:s0] =	ssyncadd.s32 @!p0 s1  }
0x3d9: {  	[bflag:$0x3] =	sbarrier.arrive $0xFFFF  }
0x3da: {  	_ =	shalt  }

</sc_bundles>
